<compile_context>
chip_gen: v7x
topology: tpu7x:2x2x1
jax: 0.10.2.dev20260603
libtpu: 0.0.44.dev20260713+nightly
codegen_flags: <defaults>
</compile_context>

<pallas_src>
import functools

import jax
import jax.numpy as jnp
from jax import lax
from jax.experimental import pallas as pl
from jax.experimental.pallas import tpu as pltpu
from jax.experimental.pallas import tpu_sc as plsc

_B = 16384
_IN_DIM = 100
_N_BINS = 10
_EMB = 16
_HID = 64
_OUT = 64
_FPAD = 128
_RSTRIDE = 65
_TWORDS = 65536
_BT = 4096

_B_SC = 1024
_B_TC = _B - _B_SC
_BT_MAIN = 3072
_NW = 32
_BW = _B_SC // _NW
_CS = 32


def _prep_kernel(xt_ref, embp_ref, w1s_ref, codes_ref, t2_ref, cmax_ref,
                 cmax_scr):
    i = pl.program_id(0)
    G = pl.num_programs(0) - 1

    @pl.when(i < G)
    def _colmax_phase():
        part = jnp.max(jnp.abs(xt_ref[...]), axis=1, keepdims=True)

        @pl.when(i == 0)
        def _():
            cmax_scr[...] = part

        @pl.when(i > 0)
        def _():
            cmax_scr[...] = jnp.maximum(cmax_scr[...], part)

    @pl.when(i == G)
    def _fold_codes_phase():
        acc = embp_ref[:, :, 0:1] * w1s_ref[0]
        for d in range(1, _EMB):
            acc = acc + embp_ref[:, :, d:d + 1] * w1s_ref[d]
        t2_ref[...] = acc
        cmax_ref[...] = cmax_scr[...]
        xt = xt_ref[:, _BT - _B_SC:]
        d = cmax_scr[...]
        bins = jnp.clip(xt / d * (_N_BINS / 2.0) + _N_BINS / 2.0,
                        0.0, _N_BINS - 1).astype(jnp.int32)
        f_iota = jax.lax.broadcasted_iota(jnp.int32, xt.shape, 0)
        codes_ref[...] = (f_iota * _N_BINS + bins) * _RSTRIDE


def _main_kernel(xt_ref, cmax_ref, t2_ref, b1_ref, w2_ref, b2_ref, o_ref,
                 t2bf_scr):
    i = pl.program_id(0)

    @pl.when(i == 0)
    def _():
        t2bf_scr[...] = t2_ref[...].astype(jnp.bfloat16).reshape(
            _N_BINS // 2, 2 * _FPAD, _HID)

    xt = xt_ref[...]
    d = cmax_ref[...]
    bins = jnp.clip(xt / d * (_N_BINS / 2.0) + _N_BINS / 2.0,
                    0.0, _N_BINS - 1).astype(jnp.int32)
    pad = jnp.full((_FPAD - _IN_DIM, xt.shape[1]), -1, jnp.int32)
    binp = jnp.concatenate([bins, pad], axis=0).astype(jnp.bfloat16)
    bin2 = jnp.concatenate([binp, binp], axis=0)
    lane2 = jax.lax.broadcasted_iota(jnp.int32, (2 * _FPAD, 1), 0)
    off = (lane2 >= _FPAD).astype(jnp.bfloat16)
    ht = None
    for q in range(_N_BINS // 2):
        nvec = off + jnp.bfloat16(2 * q)
        mask = (bin2 == nvec).astype(jnp.bfloat16)
        dq = jax.lax.dot_general(
            t2bf_scr[q], mask, (((0,), (0,)), ((), ())),
            preferred_element_type=jnp.float32)
        ht = dq if ht is None else ht + dq
    ht = jnp.maximum(ht + b1_ref[...], 0.0)
    out = jax.lax.dot_general(
        w2_ref[...], ht, (((1,), (0,)), ((), ())),
        preferred_element_type=jnp.float32)
    o_ref[...] = out + b2_ref[...]


@functools.cache
def _build_sc_lookup():
    return functools.partial(
        pl.kernel,
        mesh=plsc.VectorSubcoreMesh(core_axis_name="c", subcore_axis_name="s"),
        compiler_params=pltpu.CompilerParams(needs_layout_passes=False),
        out_type=jax.ShapeDtypeStruct((_B_SC * _HID,), jnp.float32),
        scratch_types=[
            pltpu.VMEM((_CS * _IN_DIM,), jnp.int32),
            pltpu.VMEM((_TWORDS,), jnp.float32),
            pltpu.VMEM((_CS * _HID,), jnp.float32),
        ],
    )(_sc_lookup_body)


def _sc_call(codes_flat, table_flat):
    return _build_sc_lookup()(codes_flat, table_flat)


def _sc_lookup_body(codes_hbm, table_hbm, out_hbm, codes_v, table_v, h_v):
    wid = lax.axis_index("s") * 2 + lax.axis_index("c")
    lane = lax.iota(jnp.int32, 16)
    lane_c = lane * _IN_DIM
    lane_h = lane * _HID
    pltpu.sync_copy(table_hbm, table_v)

    def chunk_body(c, carry):
        row0 = wid * _BW + c * _CS
        pltpu.sync_copy(codes_hbm.at[pl.ds(row0 * _IN_DIM, _CS * _IN_DIM)],
                        codes_v)

        def g_body(g, carry2):
            for hhc in range(4):
                def f_body(f, accs):
                    bases = plsc.load_gather(
                        codes_v, [lane_c + (g * (16 * _IN_DIM) + f)])
                    return tuple(
                        accs[p] + plsc.load_gather(
                            table_v, [bases + (hhc * 16 + p)])
                        for p in range(16))

                accs = lax.fori_loop(
                    0, _IN_DIM, f_body,
                    tuple(jnp.zeros((16,), jnp.float32) for _ in range(16)))
                for p in range(16):
                    plsc.store_scatter(
                        h_v, [lane_h + (g * (16 * _HID) + hhc * 16 + p)],
                        accs[p])
            return carry2

        lax.fori_loop(0, _CS // 16, g_body, 0)
        pltpu.sync_copy(h_v, out_hbm.at[pl.ds(row0 * _HID, _CS * _HID)])
        return carry

    lax.fori_loop(0, _BW // _CS, chunk_body, 0)


def _tail_kernel(oalias_ref, h_ref, b1_ref, w2_ref, b2_ref, o_ref):
    h = jnp.maximum(h_ref[...] + b1_ref[...], 0.0)
    out = jax.lax.dot_general(
        w2_ref[...], h, (((1,), (1,)), ((), ())),
        preferred_element_type=jnp.float32)
    o_ref[...] = out + b2_ref[...]


def kernel(X, emb, W1, b1, W2, b2):
    B, IN = X.shape
    XT = X.T
    G = B // _BT

    embp = jnp.pad(jnp.transpose(emb, (1, 0, 2)),
                   ((0, 0), (0, _FPAD - _IN_DIM), (0, 0)))
    w1s = jnp.pad(W1.T.reshape(_IN_DIM, _EMB, _HID).transpose(1, 0, 2),
                  ((0, 0), (0, _FPAD - _IN_DIM), (0, 0)))

    codes_t, t2, cmax = pl.pallas_call(
        _prep_kernel,
        grid=(G + 1,),
        in_specs=[
            pl.BlockSpec((IN, _BT), lambda i: (0, jnp.minimum(i, 3))),
            pl.BlockSpec((_N_BINS, _FPAD, _EMB), lambda i: (0, 0, 0)),
            pl.BlockSpec((_EMB, _FPAD, _HID), lambda i: (0, 0, 0)),
        ],
        out_specs=[
            pl.BlockSpec((IN, _B_SC), lambda i: (0, 0)),
            pl.BlockSpec((_N_BINS, _FPAD, _HID), lambda i: (0, 0, 0)),
            pl.BlockSpec((IN, 1), lambda i: (0, 0)),
        ],
        out_shape=[
            jax.ShapeDtypeStruct((IN, _B_SC), jnp.int32),
            jax.ShapeDtypeStruct((_N_BINS, _FPAD, _HID), jnp.float32),
            jax.ShapeDtypeStruct((IN, 1), jnp.float32),
        ],
        scratch_shapes=[pltpu.VMEM((IN, 1), jnp.float32)],
    )(XT, embp, w1s)

    out_t_buf = pl.pallas_call(
        _main_kernel,
        grid=(_B_TC // _BT_MAIN,),
        in_specs=[
            pl.BlockSpec((IN, _BT_MAIN), lambda i: (0, i)),
            pl.BlockSpec((IN, 1), lambda i: (0, 0)),
            pl.BlockSpec((_N_BINS, _FPAD, _HID), lambda i: (0, 0, 0)),
            pl.BlockSpec((_HID, 1), lambda i: (0, 0)),
            pl.BlockSpec((_OUT, _HID), lambda i: (0, 0)),
            pl.BlockSpec((_OUT, 1), lambda i: (0, 0)),
        ],
        out_specs=pl.BlockSpec((_OUT, _BT_MAIN), lambda i: (0, i)),
        out_shape=jax.ShapeDtypeStruct((_OUT, B), jnp.float32),
        scratch_shapes=[
            pltpu.VMEM((_N_BINS // 2, 2 * _FPAD, _HID), jnp.bfloat16)],
    )(XT, cmax, t2, b1.reshape(-1, 1), W2, b2.reshape(-1, 1))

    t3 = jnp.transpose(t2, (1, 0, 2))[:_IN_DIM].reshape(
        _IN_DIM * _N_BINS, _HID)
    t3 = jnp.pad(t3, ((0, 0), (0, _RSTRIDE - _HID))).reshape(-1)
    t3 = jnp.pad(t3, (0, _TWORDS - t3.shape[0]))
    h_pre = _sc_call(codes_t.T.reshape(-1), t3).reshape(_B_SC, _HID)

    out_t = pl.pallas_call(
        _tail_kernel,
        grid=(1,),
        in_specs=[
            pl.BlockSpec((_OUT, _B_SC), lambda i: (0, B // _B_SC - 1)),
            pl.BlockSpec((_B_SC, _HID), lambda i: (0, 0)),
            pl.BlockSpec((1, _HID), lambda i: (0, 0)),
            pl.BlockSpec((_OUT, _HID), lambda i: (0, 0)),
            pl.BlockSpec((_OUT, 1), lambda i: (0, 0)),
        ],
        out_specs=pl.BlockSpec((_OUT, _B_SC), lambda i: (0, B // _B_SC - 1)),
        out_shape=jax.ShapeDtypeStruct((_OUT, B), jnp.float32),
        input_output_aliases={0: 0},
    )(out_t_buf, h_pre, b1.reshape(1, -1), W2, b2.reshape(-1, 1))
    return out_t.T

# --- scband reference (transcript-rebuilt; emitter-appended) ---
"""Pipeline reference for scband-vital-proj-20598663152078 (READ-ONLY COPY).

The authoritative reference and input builder live on the scoring server;
editing this copy changes nothing except your own understanding.
"""

import jax, jax.numpy as jnp
import numpy as np

BATCH = 16384
IN_DIM = 100
OUT_DIM = 64
N_BINS = 10
EMB_DIM = 16
HIDDEN = 64


def setup_inputs(seed: int = 0) -> dict:
    key = jax.random.key(seed)
    ks = jax.random.split(key, 6)
    X = jax.random.normal(ks[0], (BATCH, IN_DIM), dtype=jnp.float32)
    emb = jax.random.normal(ks[1], (IN_DIM, N_BINS, EMB_DIM), dtype=jnp.float32)
    W1 = jax.random.normal(ks[2], (HIDDEN, IN_DIM * EMB_DIM), dtype=jnp.float32) * 0.02
    b1 = jnp.zeros((HIDDEN,), dtype=jnp.float32)
    W2 = jax.random.normal(ks[3], (OUT_DIM, HIDDEN), dtype=jnp.float32) * 0.02
    b2 = jnp.zeros((OUT_DIM,), dtype=jnp.float32)
    return {"X": X, "emb": emb, "W1": W1, "b1": b1, "W2": W2, "b2": b2}


def reference(X, emb, W1, b1, W2, b2):
    # bin ids computed under no_grad in the original module
    denom = jnp.max(jnp.abs(X), axis=0, keepdims=True)
    bin_ids = jnp.clip(X / denom * (N_BINS / 2.0) + N_BINS / 2.0, 0.0, N_BINS - 1).astype(jnp.int32)
    bin_ids = jax.lax.stop_gradient(bin_ids)  # [B, IN_DIM]
    # per-feature embedding lookup: emb[i][bin_ids[:, i]] for each feature i, then concat
    feat_idx = jnp.arange(IN_DIM)[None, :]  # [1, IN_DIM]
    e = emb[feat_idx, bin_ids]  # [B, IN_DIM, EMB_DIM]
    flat = e.reshape(X.shape[0], IN_DIM * EMB_DIM)
    h = jnp.maximum(flat @ W1.T + b1, 0.0)
    out = h @ W2.T + b2
    return out

if __name__ == "__main__":
    import jax
    _d = setup_inputs()
    print(jax.jit(kernel)(*tuple(_d.values())))

</pallas_src>

<mosaic_0001>
#map = affine_map<(d0, d1) -> (0)>
module attributes {stable_mosaic.version = 14 : i64} {
  func.func @_sc_lookup_body(%arg0: i32, %arg1: i32, %arg2: memref<102400xi32, #tpu.memory_space<hbm>>, %arg3: memref<65536xf32, #tpu.memory_space<hbm>>, %arg4: memref<65536xf32, #tpu.memory_space<hbm>>, %arg5: memref<3200xi32, #tpu.memory_space<vmem>>, %arg6: memref<65536xf32, #tpu.memory_space<vmem>>, %arg7: memref<2048xf32, #tpu.memory_space<vmem>>) attributes {dimension_semantics = [#tpu.dimension_semantics<core_parallel>, #tpu.dimension_semantics<subcore_parallel>], iteration_bounds = array<i64: 2, 16>, scalar_prefetch = 0 : i64, scratch_operands = 3 : i64, tpu.core_type = #tpu.core_type<sc_vector_subcore>, window_params = [{transform_indices = #map}, {transform_indices = #map}, {transform_indices = #map}]} {
    %mul3A = arith.constant 2 : i32
    %mul3A_0 = arith.muli %arg1, %mul3A : i32
    %add3A = arith.addi %mul3A_0, %arg0 : i32
    %iota3A = tpu.iota {dimensions = array<i32: 0>} : vector<16xi32>
    %mul3A_1 = arith.constant 100 : i32
    %mul3A_2 = vector.broadcast %mul3A_1 : i32 to vector<16xi32>
    %mul3A_3 = arith.muli %iota3A, %mul3A_2 : vector<16xi32>
    %mul3A_4 = arith.constant 64 : i32
    %mul3A_5 = vector.broadcast %mul3A_4 : i32 to vector<16xi32>
    %mul3A_6 = arith.muli %iota3A, %mul3A_5 : vector<16xi32>
    "tpu.region"() ({
      %run_scoped3A = tpu.sem_alloc : memref<!tpu.dma_semaphore, #tpu.memory_space<semaphore_mem>>
      tpu.enqueue_dma source(%arg3 : memref<65536xf32, #tpu.memory_space<hbm>>) target(%arg6 : memref<65536xf32, #tpu.memory_space<vmem>>) target_semaphore(%run_scoped3A : memref<!tpu.dma_semaphore, #tpu.memory_space<semaphore_mem>>)
      tpu.wait_dma2 semaphore(%run_scoped3A : memref<!tpu.dma_semaphore, #tpu.memory_space<semaphore_mem>>) src(%arg3 : memref<65536xf32, #tpu.memory_space<hbm>>) dst(%arg6 : memref<65536xf32, #tpu.memory_space<vmem>>)
      tpu.yield
    }) : () -> ()
    %scan3A = arith.constant 0 : i32
    %scan3A_7 = arith.constant 0 : i32
    %mul3A_8 = arith.constant 32 : i32
    %mul3A_9 = arith.muli %add3A, %mul3A_8 : i32
    %mul3A_10 = arith.constant 32 : i32
    %mul3A_11 = arith.muli %scan3A_7, %mul3A_10 : i32
    %add3A_12 = arith.addi %mul3A_9, %mul3A_11 : i32
    %mul3A_13 = arith.constant 100 : i32
    %mul3A_14 = arith.muli %add3A_12, %mul3A_13 : i32
    "tpu.region"() ({
      %run_scoped3A = tpu.sem_alloc : memref<!tpu.dma_semaphore, #tpu.memory_space<semaphore_mem>>
      %dma_start3A = tpu.memref_slice %arg2[%mul3A_14] : memref<102400xi32, #tpu.memory_space<hbm>> -> memref<3200xi32, #tpu.memory_space<hbm>>
      %dma_start3A_24 = tpu.memref_slice %arg2[%mul3A_14] : memref<102400xi32, #tpu.memory_space<hbm>> -> memref<3200xi32, #tpu.memory_space<hbm>>
      tpu.enqueue_dma source(%dma_start3A_24 : memref<3200xi32, #tpu.memory_space<hbm>>) target(%arg5 : memref<3200xi32, #tpu.memory_space<vmem>>) target_semaphore(%run_scoped3A : memref<!tpu.dma_semaphore, #tpu.memory_space<semaphore_mem>>)
      %dma_wait3A = tpu.memref_slice %arg2[%mul3A_14] : memref<102400xi32, #tpu.memory_space<hbm>> -> memref<3200xi32, #tpu.memory_space<hbm>>
      %dma_wait3A_25 = tpu.memref_slice %arg2[%mul3A_14] : memref<102400xi32, #tpu.memory_space<hbm>> -> memref<3200xi32, #tpu.memory_space<hbm>>
      tpu.wait_dma2 semaphore(%run_scoped3A : memref<!tpu.dma_semaphore, #tpu.memory_space<semaphore_mem>>) src(%dma_wait3A_25 : memref<3200xi32, #tpu.memory_space<hbm>>) dst(%arg5 : memref<3200xi32, #tpu.memory_space<vmem>>)
      tpu.yield
    }) : () -> ()
    %scan3A_15 = arith.constant 0 : i32
    %scan3A_16 = arith.constant 0 : i32
    %scan3A_17 = arith.constant 2 : i32
    %scan3A_18 = arith.addi %scan3A_16, %scan3A_17 : i32
    %scan3A_19 = arith.constant 1 : i32
    scf.for %scan3A_24 = %scan3A_16 to %scan3A_18 step %scan3A_19  : i32 {
      %broadcast_in_dim3A = arith.constant 0.000000e+00 : f32
      %broadcast_in_dim3A_25 = vector.broadcast %broadcast_in_dim3A : f32 to vector<16xf32>
      %broadcast_in_dim3A_26 = arith.constant 0.000000e+00 : f32
      %broadcast_in_dim3A_27 = vector.broadcast %broadcast_in_dim3A_26 : f32 to vector<16xf32>
      %broadcast_in_dim3A_28 = arith.constant 0.000000e+00 : f32
      %broadcast_in_dim3A_29 = vector.broadcast %broadcast_in_dim3A_28 : f32 to vector<16xf32>
      %broadcast_in_dim3A_30 = arith.constant 0.000000e+00 : f32
      %broadcast_in_dim3A_31 = vector.broadcast %broadcast_in_dim3A_30 : f32 to vector<16xf32>
      %broadcast_in_dim3A_32 = arith.constant 0.000000e+00 : f32
      %broadcast_in_dim3A_33 = vector.broadcast %broadcast_in_dim3A_32 : f32 to vector<16xf32>
      %broadcast_in_dim3A_34 = arith.constant 0.000000e+00 : f32
      %broadcast_in_dim3A_35 = vector.broadcast %broadcast_in_dim3A_34 : f32 to vector<16xf32>
      %broadcast_in_dim3A_36 = arith.constant 0.000000e+00 : f32
      %broadcast_in_dim3A_37 = vector.broadcast %broadcast_in_dim3A_36 : f32 to vector<16xf32>
      %broadcast_in_dim3A_38 = arith.constant 0.000000e+00 : f32
      %broadcast_in_dim3A_39 = vector.broadcast %broadcast_in_dim3A_38 : f32 to vector<16xf32>
      %broadcast_in_dim3A_40 = arith.constant 0.000000e+00 : f32
      %broadcast_in_dim3A_41 = vector.broadcast %broadcast_in_dim3A_40 : f32 to vector<16xf32>
      %broadcast_in_dim3A_42 = arith.constant 0.000000e+00 : f32
      %broadcast_in_dim3A_43 = vector.broadcast %broadcast_in_dim3A_42 : f32 to vector<16xf32>
      %broadcast_in_dim3A_44 = arith.constant 0.000000e+00 : f32
      %broadcast_in_dim3A_45 = vector.broadcast %broadcast_in_dim3A_44 : f32 to vector<16xf32>
      %broadcast_in_dim3A_46 = arith.constant 0.000000e+00 : f32
      %broadcast_in_dim3A_47 = vector.broadcast %broadcast_in_dim3A_46 : f32 to vector<16xf32>
      %broadcast_in_dim3A_48 = arith.constant 0.000000e+00 : f32
      %broadcast_in_dim3A_49 = vector.broadcast %broadcast_in_dim3A_48 : f32 to vector<16xf32>
      %broadcast_in_dim3A_50 = arith.constant 0.000000e+00 : f32
      %broadcast_in_dim3A_51 = vector.broadcast %broadcast_in_dim3A_50 : f32 to vector<16xf32>
      %broadcast_in_dim3A_52 = arith.constant 0.000000e+00 : f32
      %broadcast_in_dim3A_53 = vector.broadcast %broadcast_in_dim3A_52 : f32 to vector<16xf32>
      %broadcast_in_dim3A_54 = arith.constant 0.000000e+00 : f32
      %broadcast_in_dim3A_55 = vector.broadcast %broadcast_in_dim3A_54 : f32 to vector<16xf32>
      %scan3A_56 = arith.constant 0 : i32
      %scan3A_57 = arith.constant 100 : i32
      %scan3A_58 = arith.addi %scan3A_56, %scan3A_57 : i32
      %scan3A_59 = arith.constant 1 : i32
      %scan3A_60:16 = scf.for %scan3A_688 = %scan3A_56 to %scan3A_58 step %scan3A_59 iter_args(%scan3A_689 = %broadcast_in_dim3A_25, %scan3A_690 = %broadcast_in_dim3A_27, %scan3A_691 = %broadcast_in_dim3A_29, %scan3A_692 = %broadcast_in_dim3A_31, %scan3A_693 = %broadcast_in_dim3A_33, %scan3A_694 = %broadcast_in_dim3A_35, %scan3A_695 = %broadcast_in_dim3A_37, %scan3A_696 = %broadcast_in_dim3A_39, %scan3A_697 = %broadcast_in_dim3A_41, %scan3A_698 = %broadcast_in_dim3A_43, %scan3A_699 = %broadcast_in_dim3A_45, %scan3A_700 = %broadcast_in_dim3A_47, %scan3A_701 = %broadcast_in_dim3A_49, %scan3A_702 = %broadcast_in_dim3A_51, %scan3A_703 = %broadcast_in_dim3A_53, %scan3A_704 = %broadcast_in_dim3A_55) -> (vector<16xf32>, vector<16xf32>, vector<16xf32>, vector<16xf32>, vector<16xf32>, vector<16xf32>, vector<16xf32>, vector<16xf32>, vector<16xf32>, vector<16xf32>, vector<16xf32>, vector<16xf32>, vector<16xf32>, vector<16xf32>, vector<16xf32>, vector<16xf32>)  : i32 {
        %mul3A_705 = arith.constant 1600 : i32
        %mul3A_706 = arith.muli %scan3A_24, %mul3A_705 : i32
        %add3A_707 = arith.addi %mul3A_706, %scan3A_688 : i32
        %add3A_708 = vector.broadcast %add3A_707 : i32 to vector<16xi32>
        %add3A_709 = arith.addi %mul3A_3, %add3A_708 : vector<16xi32>
        %gather3A = tpu.vector_load_idx %arg5[%add3A_709] : memref<3200xi32, #tpu.memory_space<vmem>>[vector<16xi32>], vector<16xi32>,
        %add3A_710 = arith.constant 0 : i32
        %add3A_711 = vector.broadcast %add3A_710 : i32 to vector<16xi32>
        %add3A_712 = arith.addi %gather3A, %add3A_711 : vector<16xi32>
        %gather3A_713 = tpu.vector_load_idx %arg6[%add3A_712] : memref<65536xf32, #tpu.memory_space<vmem>>[vector<16xi32>], vector<16xf32>,
        %add3A_714 = arith.addf %scan3A_689, %gather3A_713 : vector<16xf32>
        %add3A_715 = arith.constant 1 : i32
        %add3A_716 = vector.broadcast %add3A_715 : i32 to vector<16xi32>
        %add3A_717 = arith.addi %gather3A, %add3A_716 : vector<16xi32>
        %gather3A_718 = tpu.vector_load_idx %arg6[%add3A_717] : memref<65536xf32, #tpu.memory_space<vmem>>[vector<16xi32>], vector<16xf32>,
        %add3A_719 = arith.addf %scan3A_690, %gather3A_718 : vector<16xf32>
        %add3A_720 = arith.constant 2 : i32
        %add3A_721 = vector.broadcast %add3A_720 : i32 to vector<16xi32>
        %add3A_722 = arith.addi %gather3A, %add3A_721 : vector<16xi32>
        %gather3A_723 = tpu.vector_load_idx %arg6[%add3A_722] : memref<65536xf32, #tpu.memory_space<vmem>>[vector<16xi32>], vector<16xf32>,
        %add3A_724 = arith.addf %scan3A_691, %gather3A_723 : vector<16xf32>
        %add3A_725 = arith.constant 3 : i32
        %add3A_726 = vector.broadcast %add3A_725 : i32 to vector<16xi32>
        %add3A_727 = arith.addi %gather3A, %add3A_726 : vector<16xi32>
        %gather3A_728 = tpu.vector_load_idx %arg6[%add3A_727] : memref<65536xf32, #tpu.memory_space<vmem>>[vector<16xi32>], vector<16xf32>,
        %add3A_729 = arith.addf %scan3A_692, %gather3A_728 : vector<16xf32>
        %add3A_730 = arith.constant 4 : i32
        %add3A_731 = vector.broadcast %add3A_730 : i32 to vector<16xi32>
        %add3A_732 = arith.addi %gather3A, %add3A_731 : vector<16xi32>
        %gather3A_733 = tpu.vector_load_idx %arg6[%add3A_732] : memref<65536xf32, #tpu.memory_space<vmem>>[vector<16xi32>], vector<16xf32>,
        %add3A_734 = arith.addf %scan3A_693, %gather3A_733 : vector<16xf32>
        %add3A_735 = arith.constant 5 : i32
        %add3A_736 = vector.broadcast %add3A_735 : i32 to vector<16xi32>
        %add3A_737 = arith.addi %gather3A, %add3A_736 : vector<16xi32>
        %gather3A_738 = tpu.vector_load_idx %arg6[%add3A_737] : memref<65536xf32, #tpu.memory_space<vmem>>[vector<16xi32>], vector<16xf32>,
        %add3A_739 = arith.addf %scan3A_694, %gather3A_738 : vector<16xf32>
        %add3A_740 = arith.constant 6 : i32
        %add3A_741 = vector.broadcast %add3A_740 : i32 to vector<16xi32>
        %add3A_742 = arith.addi %gather3A, %add3A_741 : vector<16xi32>
        %gather3A_743 = tpu.vector_load_idx %arg6[%add3A_742] : memref<65536xf32, #tpu.memory_space<vmem>>[vector<16xi32>], vector<16xf32>,
        %add3A_744 = arith.addf %scan3A_695, %gather3A_743 : vector<16xf32>
        %add3A_745 = arith.constant 7 : i32
        %add3A_746 = vector.broadcast %add3A_745 : i32 to vector<16xi32>
        %add3A_747 = arith.addi %gather3A, %add3A_746 : vector<16xi32>
        %gather3A_748 = tpu.vector_load_idx %arg6[%add3A_747] : memref<65536xf32, #tpu.memory_space<vmem>>[vector<16xi32>], vector<16xf32>,
        %add3A_749 = arith.addf %scan3A_696, %gather3A_748 : vector<16xf32>
        %add3A_750 = arith.constant 8 : i32
        %add3A_751 = vector.broadcast %add3A_750 : i32 to vector<16xi32>
        %add3A_752 = arith.addi %gather3A, %add3A_751 : vector<16xi32>
        %gather3A_753 = tpu.vector_load_idx %arg6[%add3A_752] : memref<65536xf32, #tpu.memory_space<vmem>>[vector<16xi32>], vector<16xf32>,
        %add3A_754 = arith.addf %scan3A_697, %gather3A_753 : vector<16xf32>
        %add3A_755 = arith.constant 9 : i32
        %add3A_756 = vector.broadcast %add3A_755 : i32 to vector<16xi32>
        %add3A_757 = arith.addi %gather3A, %add3A_756 : vector<16xi32>
        %gather3A_758 = tpu.vector_load_idx %arg6[%add3A_757] : memref<65536xf32, #tpu.memory_space<vmem>>[vector<16xi32>], vector<16xf32>,
        %add3A_759 = arith.addf %scan3A_698, %gather3A_758 : vector<16xf32>
        %add3A_760 = arith.constant 10 : i32
        %add3A_761 = vector.broadcast %add3A_760 : i32 to vector<16xi32>
        %add3A_762 = arith.addi %gather3A, %add3A_761 : vector<16xi32>
        %gather3A_763 = tpu.vector_load_idx %arg6[%add3A_762] : memref<65536xf32, #tpu.memory_space<vmem>>[vector<16xi32>], vector<16xf32>,
        %add3A_764 = arith.addf %scan3A_699, %gather3A_763 : vector<16xf32>
        %add3A_765 = arith.constant 11 : i32
        %add3A_766 = vector.broadcast %add3A_765 : i32 to vector<16xi32>
        %add3A_767 = arith.addi %gather3A, %add3A_766 : vector<16xi32>
        %gather3A_768 = tpu.vector_load_idx %arg6[%add3A_767] : memref<65536xf32, #tpu.memory_space<vmem>>[vector<16xi32>], vector<16xf32>,
        %add3A_769 = arith.addf %scan3A_700, %gather3A_768 : vector<16xf32>
        %add3A_770 = arith.constant 12 : i32
        %add3A_771 = vector.broadcast %add3A_770 : i32 to vector<16xi32>
        %add3A_772 = arith.addi %gather3A, %add3A_771 : vector<16xi32>
        %gather3A_773 = tpu.vector_load_idx %arg6[%add3A_772] : memref<65536xf32, #tpu.memory_space<vmem>>[vector<16xi32>], vector<16xf32>,
        %add3A_774 = arith.addf %scan3A_701, %gather3A_773 : vector<16xf32>
        %add3A_775 = arith.constant 13 : i32
        %add3A_776 = vector.broadcast %add3A_775 : i32 to vector<16xi32>
        %add3A_777 = arith.addi %gather3A, %add3A_776 : vector<16xi32>
        %gather3A_778 = tpu.vector_load_idx %arg6[%add3A_777] : memref<65536xf32, #tpu.memory_space<vmem>>[vector<16xi32>], vector<16xf32>,
        %add3A_779 = arith.addf %scan3A_702, %gather3A_778 : vector<16xf32>
        %add3A_780 = arith.constant 14 : i32
        %add3A_781 = vector.broadcast %add3A_780 : i32 to vector<16xi32>
        %add3A_782 = arith.addi %gather3A, %add3A_781 : vector<16xi32>
        %gather3A_783 = tpu.vector_load_idx %arg6[%add3A_782] : memref<65536xf32, #tpu.memory_space<vmem>>[vector<16xi32>], vector<16xf32>,
        %add3A_784 = arith.addf %scan3A_703, %gather3A_783 : vector<16xf32>
        %add3A_785 = arith.constant 15 : i32
        %add3A_786 = vector.broadcast %add3A_785 : i32 to vector<16xi32>
        %add3A_787 = arith.addi %gather3A, %add3A_786 : vector<16xi32>
        %gather3A_788 = tpu.vector_load_idx %arg6[%add3A_787] : memref<65536xf32, #tpu.memory_space<vmem>>[vector<16xi32>], vector<16xf32>,
        %add3A_789 = arith.addf %scan3A_704, %gather3A_788 : vector<16xf32>
        scf.yield %add3A_714, %add3A_719, %add3A_724, %add3A_729, %add3A_734, %add3A_739, %add3A_744, %add3A_749, %add3A_754, %add3A_759, %add3A_764, %add3A_769, %add3A_774, %add3A_779, %add3A_784, %add3A_789 : vector<16xf32>, vector<16xf32>, vector<16xf32>, vector<16xf32>, vector<16xf32>, vector<16xf32>, vector<16xf32>, vector<16xf32>, vector<16xf32>, vector<16xf32>, vector<16xf32>, vector<16xf32>, vector<16xf32>, vector<16xf32>, vector<16xf32>, vector<16xf32>
      }
      %scan3A_61 = arith.constant 100 : i32
      %mul3A_62 = arith.constant 1024 : i32
      %mul3A_63 = arith.muli %scan3A_24, %mul3A_62 : i32
      %add3A_64 = arith.constant 0 : i32
      %add3A_65 = arith.addi %mul3A_63, %add3A_64 : i32
      %add3A_66 = arith.constant 0 : i32
      %add3A_67 = arith.addi %add3A_65, %add3A_66 : i32
      %add3A_68 = vector.broadcast %add3A_67 : i32 to vector<16xi32>
      %add3A_69 = arith.addi %mul3A_6, %add3A_68 : vector<16xi32>
      tpu.vector_store_idx %arg7[%add3A_69], %scan3A_60#0 : memref<2048xf32, #tpu.memory_space<vmem>>[vector<16xi32>], vector<16xf32>,
      %mul3A_70 = arith.constant 1024 : i32
      %mul3A_71 = arith.muli %scan3A_24, %mul3A_70 : i32
      %add3A_72 = arith.constant 0 : i32
      %add3A_73 = arith.addi %mul3A_71, %add3A_72 : i32
      %add3A_74 = arith.constant 1 : i32
      %add3A_75 = arith.addi %add3A_73, %add3A_74 : i32
      %add3A_76 = vector.broadcast %add3A_75 : i32 to vector<16xi32>
      %add3A_77 = arith.addi %mul3A_6, %add3A_76 : vector<16xi32>
      tpu.vector_store_idx %arg7[%add3A_77], %scan3A_60#1 : memref<2048xf32, #tpu.memory_space<vmem>>[vector<16xi32>], vector<16xf32>,
      %mul3A_78 = arith.constant 1024 : i32
      %mul3A_79 = arith.muli %scan3A_24, %mul3A_78 : i32
      %add3A_80 = arith.constant 0 : i32
      %add3A_81 = arith.addi %mul3A_79, %add3A_80 : i32
      %add3A_82 = arith.constant 2 : i32
      %add3A_83 = arith.addi %add3A_81, %add3A_82 : i32
      %add3A_84 = vector.broadcast %add3A_83 : i32 to vector<16xi32>
      %add3A_85 = arith.addi %mul3A_6, %add3A_84 : vector<16xi32>
      tpu.vector_store_idx %arg7[%add3A_85], %scan3A_60#2 : memref<2048xf32, #tpu.memory_space<vmem>>[vector<16xi32>], vector<16xf32>,
      %mul3A_86 = arith.constant 1024 : i32
      %mul3A_87 = arith.muli %scan3A_24, %mul3A_86 : i32
      %add3A_88 = arith.constant 0 : i32
      %add3A_89 = arith.addi %mul3A_87, %add3A_88 : i32
      %add3A_90 = arith.constant 3 : i32
      %add3A_91 = arith.addi %add3A_89, %add3A_90 : i32
      %add3A_92 = vector.broadcast %add3A_91 : i32 to vector<16xi32>
      %add3A_93 = arith.addi %mul3A_6, %add3A_92 : vector<16xi32>
      tpu.vector_store_idx %arg7[%add3A_93], %scan3A_60#3 : memref<2048xf32, #tpu.memory_space<vmem>>[vector<16xi32>], vector<16xf32>,
      %mul3A_94 = arith.constant 1024 : i32
      %mul3A_95 = arith.muli %scan3A_24, %mul3A_94 : i32
      %add3A_96 = arith.constant 0 : i32
      %add3A_97 = arith.addi %mul3A_95, %add3A_96 : i32
      %add3A_98 = arith.constant 4 : i32
      %add3A_99 = arith.addi %add3A_97, %add3A_98 : i32
      %add3A_100 = vector.broadcast %add3A_99 : i32 to vector<16xi32>
      %add3A_101 = arith.addi %mul3A_6, %add3A_100 : vector<16xi32>
      tpu.vector_store_idx %arg7[%add3A_101], %scan3A_60#4 : memref<2048xf32, #tpu.memory_space<vmem>>[vector<16xi32>], vector<16xf32>,
      %mul3A_102 = arith.constant 1024 : i32
      %mul3A_103 = arith.muli %scan3A_24, %mul3A_102 : i32
      %add3A_104 = arith.constant 0 : i32
      %add3A_105 = arith.addi %mul3A_103, %add3A_104 : i32
      %add3A_106 = arith.constant 5 : i32
      %add3A_107 = arith.addi %add3A_105, %add3A_106 : i32
      %add3A_108 = vector.broadcast %add3A_107 : i32 to vector<16xi32>
      %add3A_109 = arith.addi %mul3A_6, %add3A_108 : vector<16xi32>
      tpu.vector_store_idx %arg7[%add3A_109], %scan3A_60#5 : memref<2048xf32, #tpu.memory_space<vmem>>[vector<16xi32>], vector<16xf32>,
      %mul3A_110 = arith.constant 1024 : i32
      %mul3A_111 = arith.muli %scan3A_24, %mul3A_110 : i32
      %add3A_112 = arith.constant 0 : i32
      %add3A_113 = arith.addi %mul3A_111, %add3A_112 : i32
      %add3A_114 = arith.constant 6 : i32
      %add3A_115 = arith.addi %add3A_113, %add3A_114 : i32
      %add3A_116 = vector.broadcast %add3A_115 : i32 to vector<16xi32>
      %add3A_117 = arith.addi %mul3A_6, %add3A_116 : vector<16xi32>
      tpu.vector_store_idx %arg7[%add3A_117], %scan3A_60#6 : memref<2048xf32, #tpu.memory_space<vmem>>[vector<16xi32>], vector<16xf32>,
      %mul3A_118 = arith.constant 1024 : i32
      %mul3A_119 = arith.muli %scan3A_24, %mul3A_118 : i32
      %add3A_120 = arith.constant 0 : i32
      %add3A_121 = arith.addi %mul3A_119, %add3A_120 : i32
      %add3A_122 = arith.constant 7 : i32
      %add3A_123 = arith.addi %add3A_121, %add3A_122 : i32
      %add3A_124 = vector.broadcast %add3A_123 : i32 to vector<16xi32>
      %add3A_125 = arith.addi %mul3A_6, %add3A_124 : vector<16xi32>
      tpu.vector_store_idx %arg7[%add3A_125], %scan3A_60#7 : memref<2048xf32, #tpu.memory_space<vmem>>[vector<16xi32>], vector<16xf32>,
      %mul3A_126 = arith.constant 1024 : i32
      %mul3A_127 = arith.muli %scan3A_24, %mul3A_126 : i32
      %add3A_128 = arith.constant 0 : i32
      %add3A_129 = arith.addi %mul3A_127, %add3A_128 : i32
      %add3A_130 = arith.constant 8 : i32
      %add3A_131 = arith.addi %add3A_129, %add3A_130 : i32
      %add3A_132 = vector.broadcast %add3A_131 : i32 to vector<16xi32>
      %add3A_133 = arith.addi %mul3A_6, %add3A_132 : vector<16xi32>
      tpu.vector_store_idx %arg7[%add3A_133], %scan3A_60#8 : memref<2048xf32, #tpu.memory_space<vmem>>[vector<16xi32>], vector<16xf32>,
      %mul3A_134 = arith.constant 1024 : i32
      %mul3A_135 = arith.muli %scan3A_24, %mul3A_134 : i32
      %add3A_136 = arith.constant 0 : i32
      %add3A_137 = arith.addi %mul3A_135, %add3A_136 : i32
      %add3A_138 = arith.constant 9 : i32
      %add3A_139 = arith.addi %add3A_137, %add3A_138 : i32
      %add3A_140 = vector.broadcast %add3A_139 : i32 to vector<16xi32>
      %add3A_141 = arith.addi %mul3A_6, %add3A_140 : vector<16xi32>
      tpu.vector_store_idx %arg7[%add3A_141], %scan3A_60#9 : memref<2048xf32, #tpu.memory_space<vmem>>[vector<16xi32>], vector<16xf32>,
      %mul3A_142 = arith.constant 1024 : i32
      %mul3A_143 = arith.muli %scan3A_24, %mul3A_142 : i32
      %add3A_144 = arith.constant 0 : i32
      %add3A_145 = arith.addi %mul3A_143, %add3A_144 : i32
      %add3A_146 = arith.constant 10 : i32
      %add3A_147 = arith.addi %add3A_145, %add3A_146 : i32
      %add3A_148 = vector.broadcast %add3A_147 : i32 to vector<16xi32>
      %add3A_149 = arith.addi %mul3A_6, %add3A_148 : vector<16xi32>
      tpu.vector_store_idx %arg7[%add3A_149], %scan3A_60#10 : memref<2048xf32, #tpu.memory_space<vmem>>[vector<16xi32>], vector<16xf32>,
      %mul3A_150 = arith.constant 1024 : i32
      %mul3A_151 = arith.muli %scan3A_24, %mul3A_150 : i32
      %add3A_152 = arith.constant 0 : i32
      %add3A_153 = arith.addi %mul3A_151, %add3A_152 : i32
      %add3A_154 = arith.constant 11 : i32
      %add3A_155 = arith.addi %add3A_153, %add3A_154 : i32
      %add3A_156 = vector.broadcast %add3A_155 : i32 to vector<16xi32>
      %add3A_157 = arith.addi %mul3A_6, %add3A_156 : vector<16xi32>
      tpu.vector_store_idx %arg7[%add3A_157], %scan3A_60#11 : memref<2048xf32, #tpu.memory_space<vmem>>[vector<16xi32>], vector<16xf32>,
      %mul3A_158 = arith.constant 1024 : i32
      %mul3A_159 = arith.muli %scan3A_24, %mul3A_158 : i32
      %add3A_160 = arith.constant 0 : i32
      %add3A_161 = arith.addi %mul3A_159, %add3A_160 : i32
      %add3A_162 = arith.constant 12 : i32
      %add3A_163 = arith.addi %add3A_161, %add3A_162 : i32
      %add3A_164 = vector.broadcast %add3A_163 : i32 to vector<16xi32>
      %add3A_165 = arith.addi %mul3A_6, %add3A_164 : vector<16xi32>
      tpu.vector_store_idx %arg7[%add3A_165], %scan3A_60#12 : memref<2048xf32, #tpu.memory_space<vmem>>[vector<16xi32>], vector<16xf32>,
      %mul3A_166 = arith.constant 1024 : i32
      %mul3A_167 = arith.muli %scan3A_24, %mul3A_166 : i32
      %add3A_168 = arith.constant 0 : i32
      %add3A_169 = arith.addi %mul3A_167, %add3A_168 : i32
      %add3A_170 = arith.constant 13 : i32
      %add3A_171 = arith.addi %add3A_169, %add3A_170 : i32
      %add3A_172 = vector.broadcast %add3A_171 : i32 to vector<16xi32>
      %add3A_173 = arith.addi %mul3A_6, %add3A_172 : vector<16xi32>
      tpu.vector_store_idx %arg7[%add3A_173], %scan3A_60#13 : memref<2048xf32, #tpu.memory_space<vmem>>[vector<16xi32>], vector<16xf32>,
      %mul3A_174 = arith.constant 1024 : i32
      %mul3A_175 = arith.muli %scan3A_24, %mul3A_174 : i32
      %add3A_176 = arith.constant 0 : i32
      %add3A_177 = arith.addi %mul3A_175, %add3A_176 : i32
      %add3A_178 = arith.constant 14 : i32
      %add3A_179 = arith.addi %add3A_177, %add3A_178 : i32
      %add3A_180 = vector.broadcast %add3A_179 : i32 to vector<16xi32>
      %add3A_181 = arith.addi %mul3A_6, %add3A_180 : vector<16xi32>
      tpu.vector_store_idx %arg7[%add3A_181], %scan3A_60#14 : memref<2048xf32, #tpu.memory_space<vmem>>[vector<16xi32>], vector<16xf32>,
      %mul3A_182 = arith.constant 1024 : i32
      %mul3A_183 = arith.muli %scan3A_24, %mul3A_182 : i32
      %add3A_184 = arith.constant 0 : i32
      %add3A_185 = arith.addi %mul3A_183, %add3A_184 : i32
      %add3A_186 = arith.constant 15 : i32
      %add3A_187 = arith.addi %add3A_185, %add3A_186 : i32
      %add3A_188 = vector.broadcast %add3A_187 : i32 to vector<16xi32>
      %add3A_189 = arith.addi %mul3A_6, %add3A_188 : vector<16xi32>
      tpu.vector_store_idx %arg7[%add3A_189], %scan3A_60#15 : memref<2048xf32, #tpu.memory_space<vmem>>[vector<16xi32>], vector<16xf32>,
      %broadcast_in_dim3A_190 = arith.constant 0.000000e+00 : f32
      %broadcast_in_dim3A_191 = vector.broadcast %broadcast_in_dim3A_190 : f32 to vector<16xf32>
      %broadcast_in_dim3A_192 = arith.constant 0.000000e+00 : f32
      %broadcast_in_dim3A_193 = vector.broadcast %broadcast_in_dim3A_192 : f32 to vector<16xf32>
      %broadcast_in_dim3A_194 = arith.constant 0.000000e+00 : f32
      %broadcast_in_dim3A_195 = vector.broadcast %broadcast_in_dim3A_194 : f32 to vector<16xf32>
      %broadcast_in_dim3A_196 = arith.constant 0.000000e+00 : f32
      %broadcast_in_dim3A_197 = vector.broadcast %broadcast_in_dim3A_196 : f32 to vector<16xf32>
      %broadcast_in_dim3A_198 = arith.constant 0.000000e+00 : f32
      %broadcast_in_dim3A_199 = vector.broadcast %broadcast_in_dim3A_198 : f32 to vector<16xf32>
      %broadcast_in_dim3A_200 = arith.constant 0.000000e+00 : f32
      %broadcast_in_dim3A_201 = vector.broadcast %broadcast_in_dim3A_200 : f32 to vector<16xf32>
      %broadcast_in_dim3A_202 = arith.constant 0.000000e+00 : f32
      %broadcast_in_dim3A_203 = vector.broadcast %broadcast_in_dim3A_202 : f32 to vector<16xf32>
      %broadcast_in_dim3A_204 = arith.constant 0.000000e+00 : f32
      %broadcast_in_dim3A_205 = vector.broadcast %broadcast_in_dim3A_204 : f32 to vector<16xf32>
      %broadcast_in_dim3A_206 = arith.constant 0.000000e+00 : f32
      %broadcast_in_dim3A_207 = vector.broadcast %broadcast_in_dim3A_206 : f32 to vector<16xf32>
      %broadcast_in_dim3A_208 = arith.constant 0.000000e+00 : f32
      %broadcast_in_dim3A_209 = vector.broadcast %broadcast_in_dim3A_208 : f32 to vector<16xf32>
      %broadcast_in_dim3A_210 = arith.constant 0.000000e+00 : f32
      %broadcast_in_dim3A_211 = vector.broadcast %broadcast_in_dim3A_210 : f32 to vector<16xf32>
      %broadcast_in_dim3A_212 = arith.constant 0.000000e+00 : f32
      %broadcast_in_dim3A_213 = vector.broadcast %broadcast_in_dim3A_212 : f32 to vector<16xf32>
      %broadcast_in_dim3A_214 = arith.constant 0.000000e+00 : f32
      %broadcast_in_dim3A_215 = vector.broadcast %broadcast_in_dim3A_214 : f32 to vector<16xf32>
      %broadcast_in_dim3A_216 = arith.constant 0.000000e+00 : f32
      %broadcast_in_dim3A_217 = vector.broadcast %broadcast_in_dim3A_216 : f32 to vector<16xf32>
      %broadcast_in_dim3A_218 = arith.constant 0.000000e+00 : f32
      %broadcast_in_dim3A_219 = vector.broadcast %broadcast_in_dim3A_218 : f32 to vector<16xf32>
      %broadcast_in_dim3A_220 = arith.constant 0.000000e+00 : f32
      %broadcast_in_dim3A_221 = vector.broadcast %broadcast_in_dim3A_220 : f32 to vector<16xf32>
      %scan3A_222 = arith.constant 0 : i32
      %scan3A_223 = arith.constant 100 : i32
      %scan3A_224 = arith.addi %scan3A_222, %scan3A_223 : i32
      %scan3A_225 = arith.constant 1 : i32
      %scan3A_226:16 = scf.for %scan3A_688 = %scan3A_222 to %scan3A_224 step %scan3A_225 iter_args(%scan3A_689 = %broadcast_in_dim3A_191, %scan3A_690 = %broadcast_in_dim3A_193, %scan3A_691 = %broadcast_in_dim3A_195, %scan3A_692 = %broadcast_in_dim3A_197, %scan3A_693 = %broadcast_in_dim3A_199, %scan3A_694 = %broadcast_in_dim3A_201, %scan3A_695 = %broadcast_in_dim3A_203, %scan3A_696 = %broadcast_in_dim3A_205, %scan3A_697 = %broadcast_in_dim3A_207, %scan3A_698 = %broadcast_in_dim3A_209, %scan3A_699 = %broadcast_in_dim3A_211, %scan3A_700 = %broadcast_in_dim3A_213, %scan3A_701 = %broadcast_in_dim3A_215, %scan3A_702 = %broadcast_in_dim3A_217, %scan3A_703 = %broadcast_in_dim3A_219, %scan3A_704 = %broadcast_in_dim3A_221) -> (vector<16xf32>, vector<16xf32>, vector<16xf32>, vector<16xf32>, vector<16xf32>, vector<16xf32>, vector<16xf32>, vector<16xf32>, vector<16xf32>, vector<16xf32>, vector<16xf32>, vector<16xf32>, vector<16xf32>, vector<16xf32>, vector<16xf32>, vector<16xf32>)  : i32 {
        %mul3A_705 = arith.constant 1600 : i32
        %mul3A_706 = arith.muli %scan3A_24, %mul3A_705 : i32
        %add3A_707 = arith.addi %mul3A_706, %scan3A_688 : i32
        %add3A_708 = vector.broadcast %add3A_707 : i32 to vector<16xi32>
        %add3A_709 = arith.addi %mul3A_3, %add3A_708 : vector<16xi32>
        %gather3A = tpu.vector_load_idx %arg5[%add3A_709] : memref<3200xi32, #tpu.memory_space<vmem>>[vector<16xi32>], vector<16xi32>,
        %add3A_710 = arith.constant 16 : i32
        %add3A_711 = vector.broadcast %add3A_710 : i32 to vector<16xi32>
        %add3A_712 = arith.addi %gather3A, %add3A_711 : vector<16xi32>
        %gather3A_713 = tpu.vector_load_idx %arg6[%add3A_712] : memref<65536xf32, #tpu.memory_space<vmem>>[vector<16xi32>], vector<16xf32>,
        %add3A_714 = arith.addf %scan3A_689, %gather3A_713 : vector<16xf32>
        %add3A_715 = arith.constant 17 : i32
        %add3A_716 = vector.broadcast %add3A_715 : i32 to vector<16xi32>
        %add3A_717 = arith.addi %gather3A, %add3A_716 : vector<16xi32>
        %gather3A_718 = tpu.vector_load_idx %arg6[%add3A_717] : memref<65536xf32, #tpu.memory_space<vmem>>[vector<16xi32>], vector<16xf32>,
        %add3A_719 = arith.addf %scan3A_690, %gather3A_718 : vector<16xf32>
        %add3A_720 = arith.constant 18 : i32
        %add3A_721 = vector.broadcast %add3A_720 : i32 to vector<16xi32>
        %add3A_722 = arith.addi %gather3A, %add3A_721 : vector<16xi32>
        %gather3A_723 = tpu.vector_load_idx %arg6[%add3A_722] : memref<65536xf32, #tpu.memory_space<vmem>>[vector<16xi32>], vector<16xf32>,
        %add3A_724 = arith.addf %scan3A_691, %gather3A_723 : vector<16xf32>
        %add3A_725 = arith.constant 19 : i32
        %add3A_726 = vector.broadcast %add3A_725 : i32 to vector<16xi32>
        %add3A_727 = arith.addi %gather3A, %add3A_726 : vector<16xi32>
        %gather3A_728 = tpu.vector_load_idx %arg6[%add3A_727] : memref<65536xf32, #tpu.memory_space<vmem>>[vector<16xi32>], vector<16xf32>,
        %add3A_729 = arith.addf %scan3A_692, %gather3A_728 : vector<16xf32>
        %add3A_730 = arith.constant 20 : i32
        %add3A_731 = vector.broadcast %add3A_730 : i32 to vector<16xi32>
        %add3A_732 = arith.addi %gather3A, %add3A_731 : vector<16xi32>
        %gather3A_733 = tpu.vector_load_idx %arg6[%add3A_732] : memref<65536xf32, #tpu.memory_space<vmem>>[vector<16xi32>], vector<16xf32>,
        %add3A_734 = arith.addf %scan3A_693, %gather3A_733 : vector<16xf32>
        %add3A_735 = arith.constant 21 : i32
        %add3A_736 = vector.broadcast %add3A_735 : i32 to vector<16xi32>
        %add3A_737 = arith.addi %gather3A, %add3A_736 : vector<16xi32>
        %gather3A_738 = tpu.vector_load_idx %arg6[%add3A_737] : memref<65536xf32, #tpu.memory_space<vmem>>[vector<16xi32>], vector<16xf32>,
        %add3A_739 = arith.addf %scan3A_694, %gather3A_738 : vector<16xf32>
        %add3A_740 = arith.constant 22 : i32
        %add3A_741 = vector.broadcast %add3A_740 : i32 to vector<16xi32>
        %add3A_742 = arith.addi %gather3A, %add3A_741 : vector<16xi32>
        %gather3A_743 = tpu.vector_load_idx %arg6[%add3A_742] : memref<65536xf32, #tpu.memory_space<vmem>>[vector<16xi32>], vector<16xf32>,
        %add3A_744 = arith.addf %scan3A_695, %gather3A_743 : vector<16xf32>
        %add3A_745 = arith.constant 23 : i32
        %add3A_746 = vector.broadcast %add3A_745 : i32 to vector<16xi32>
        %add3A_747 = arith.addi %gather3A, %add3A_746 : vector<16xi32>
        %gather3A_748 = tpu.vector_load_idx %arg6[%add3A_747] : memref<65536xf32, #tpu.memory_space<vmem>>[vector<16xi32>], vector<16xf32>,
        %add3A_749 = arith.addf %scan3A_696, %gather3A_748 : vector<16xf32>
        %add3A_750 = arith.constant 24 : i32
        %add3A_751 = vector.broadcast %add3A_750 : i32 to vector<16xi32>
        %add3A_752 = arith.addi %gather3A, %add3A_751 : vector<16xi32>
        %gather3A_753 = tpu.vector_load_idx %arg6[%add3A_752] : memref<65536xf32, #tpu.memory_space<vmem>>[vector<16xi32>], vector<16xf32>,
        %add3A_754 = arith.addf %scan3A_697, %gather3A_753 : vector<16xf32>
        %add3A_755 = arith.constant 25 : i32
        %add3A_756 = vector.broadcast %add3A_755 : i32 to vector<16xi32>
        %add3A_757 = arith.addi %gather3A, %add3A_756 : vector<16xi32>
        %gather3A_758 = tpu.vector_load_idx %arg6[%add3A_757] : memref<65536xf32, #tpu.memory_space<vmem>>[vector<16xi32>], vector<16xf32>,
        %add3A_759 = arith.addf %scan3A_698, %gather3A_758 : vector<16xf32>
        %add3A_760 = arith.constant 26 : i32
        %add3A_761 = vector.broadcast %add3A_760 : i32 to vector<16xi32>
        %add3A_762 = arith.addi %gather3A, %add3A_761 : vector<16xi32>
        %gather3A_763 = tpu.vector_load_idx %arg6[%add3A_762] : memref<65536xf32, #tpu.memory_space<vmem>>[vector<16xi32>], vector<16xf32>,
        %add3A_764 = arith.addf %scan3A_699, %gather3A_763 : vector<16xf32>
        %add3A_765 = arith.constant 27 : i32
        %add3A_766 = vector.broadcast %add3A_765 : i32 to vector<16xi32>
        %add3A_767 = arith.addi %gather3A, %add3A_766 : vector<16xi32>
        %gather3A_768 = tpu.vector_load_idx %arg6[%add3A_767] : memref<65536xf32, #tpu.memory_space<vmem>>[vector<16xi32>], vector<16xf32>,
        %add3A_769 = arith.addf %scan3A_700, %gather3A_768 : vector<16xf32>
        %add3A_770 = arith.constant 28 : i32
        %add3A_771 = vector.broadcast %add3A_770 : i32 to vector<16xi32>
        %add3A_772 = arith.addi %gather3A, %add3A_771 : vector<16xi32>
        %gather3A_773 = tpu.vector_load_idx %arg6[%add3A_772] : memref<65536xf32, #tpu.memory_space<vmem>>[vector<16xi32>], vector<16xf32>,
        %add3A_774 = arith.addf %scan3A_701, %gather3A_773 : vector<16xf32>
        %add3A_775 = arith.constant 29 : i32
        %add3A_776 = vector.broadcast %add3A_775 : i32 to vector<16xi32>
        %add3A_777 = arith.addi %gather3A, %add3A_776 : vector<16xi32>
        %gather3A_778 = tpu.vector_load_idx %arg6[%add3A_777] : memref<65536xf32, #tpu.memory_space<vmem>>[vector<16xi32>], vector<16xf32>,
        %add3A_779 = arith.addf %scan3A_702, %gather3A_778 : vector<16xf32>
        %add3A_780 = arith.constant 30 : i32
        %add3A_781 = vector.broadcast %add3A_780 : i32 to vector<16xi32>
        %add3A_782 = arith.addi %gather3A, %add3A_781 : vector<16xi32>
        %gather3A_783 = tpu.vector_load_idx %arg6[%add3A_782] : memref<65536xf32, #tpu.memory_space<vmem>>[vector<16xi32>], vector<16xf32>,
        %add3A_784 = arith.addf %scan3A_703, %gather3A_783 : vector<16xf32>
        %add3A_785 = arith.constant 31 : i32
        %add3A_786 = vector.broadcast %add3A_785 : i32 to vector<16xi32>
        %add3A_787 = arith.addi %gather3A, %add3A_786 : vector<16xi32>
        %gather3A_788 = tpu.vector_load_idx %arg6[%add3A_787] : memref<65536xf32, #tpu.memory_space<vmem>>[vector<16xi32>], vector<16xf32>,
        %add3A_789 = arith.addf %scan3A_704, %gather3A_788 : vector<16xf32>
        scf.yield %add3A_714, %add3A_719, %add3A_724, %add3A_729, %add3A_734, %add3A_739, %add3A_744, %add3A_749, %add3A_754, %add3A_759, %add3A_764, %add3A_769, %add3A_774, %add3A_779, %add3A_784, %add3A_789 : vector<16xf32>, vector<16xf32>, vector<16xf32>, vector<16xf32>, vector<16xf32>, vector<16xf32>, vector<16xf32>, vector<16xf32>, vector<16xf32>, vector<16xf32>, vector<16xf32>, vector<16xf32>, vector<16xf32>, vector<16xf32>, vector<16xf32>, vector<16xf32>
      }
      %scan3A_227 = arith.constant 100 : i32
      %mul3A_228 = arith.constant 1024 : i32
      %mul3A_229 = arith.muli %scan3A_24, %mul3A_228 : i32
      %add3A_230 = arith.constant 16 : i32
      %add3A_231 = arith.addi %mul3A_229, %add3A_230 : i32
      %add3A_232 = arith.constant 0 : i32
      %add3A_233 = arith.addi %add3A_231, %add3A_232 : i32
      %add3A_234 = vector.broadcast %add3A_233 : i32 to vector<16xi32>
      %add3A_235 = arith.addi %mul3A_6, %add3A_234 : vector<16xi32>
      tpu.vector_store_idx %arg7[%add3A_235], %scan3A_226#0 : memref<2048xf32, #tpu.memory_space<vmem>>[vector<16xi32>], vector<16xf32>,
      %mul3A_236 = arith.constant 1024 : i32
      %mul3A_237 = arith.muli %scan3A_24, %mul3A_236 : i32
      %add3A_238 = arith.constant 16 : i32
      %add3A_239 = arith.addi %mul3A_237, %add3A_238 : i32
      %add3A_240 = arith.constant 1 : i32
      %add3A_241 = arith.addi %add3A_239, %add3A_240 : i32
      %add3A_242 = vector.broadcast %add3A_241 : i32 to vector<16xi32>
      %add3A_243 = arith.addi %mul3A_6, %add3A_242 : vector<16xi32>
      tpu.vector_store_idx %arg7[%add3A_243], %scan3A_226#1 : memref<2048xf32, #tpu.memory_space<vmem>>[vector<16xi32>], vector<16xf32>,
      %mul3A_244 = arith.constant 1024 : i32
      %mul3A_245 = arith.muli %scan3A_24, %mul3A_244 : i32
      %add3A_246 = arith.constant 16 : i32
      %add3A_247 = arith.addi %mul3A_245, %add3A_246 : i32
      %add3A_248 = arith.constant 2 : i32
      %add3A_249 = arith.addi %add3A_247, %add3A_248 : i32
      %add3A_250 = vector.broadcast %add3A_249 : i32 to vector<16xi32>
      %add3A_251 = arith.addi %mul3A_6, %add3A_250 : vector<16xi32>
      tpu.vector_store_idx %arg7[%add3A_251], %scan3A_226#2 : memref<2048xf32, #tpu.memory_space<vmem>>[vector<16xi32>], vector<16xf32>,
      %mul3A_252 = arith.constant 1024 : i32
      %mul3A_253 = arith.muli %scan3A_24, %mul3A_252 : i32
      %add3A_254 = arith.constant 16 : i32
      %add3A_255 = arith.addi %mul3A_253, %add3A_254 : i32
      %add3A_256 = arith.constant 3 : i32
      %add3A_257 = arith.addi %add3A_255, %add3A_256 : i32
      %add3A_258 = vector.broadcast %add3A_257 : i32 to vector<16xi32>
      %add3A_259 = arith.addi %mul3A_6, %add3A_258 : vector<16xi32>
      tpu.vector_store_idx %arg7[%add3A_259], %scan3A_226#3 : memref<2048xf32, #tpu.memory_space<vmem>>[vector<16xi32>], vector<16xf32>,
      %mul3A_260 = arith.constant 1024 : i32
      %mul3A_261 = arith.muli %scan3A_24, %mul3A_260 : i32
      %add3A_262 = arith.constant 16 : i32
      %add3A_263 = arith.addi %mul3A_261, %add3A_262 : i32
      %add3A_264 = arith.constant 4 : i32
      %add3A_265 = arith.addi %add3A_263, %add3A_264 : i32
      %add3A_266 = vector.broadcast %add3A_265 : i32 to vector<16xi32>
      %add3A_267 = arith.addi %mul3A_6, %add3A_266 : vector<16xi32>
      tpu.vector_store_idx %arg7[%add3A_267], %scan3A_226#4 : memref<2048xf32, #tpu.memory_space<vmem>>[vector<16xi32>], vector<16xf32>,
      %mul3A_268 = arith.constant 1024 : i32
      %mul3A_269 = arith.muli %scan3A_24, %mul3A_268 : i32
      %add3A_270 = arith.constant 16 : i32
      %add3A_271 = arith.addi %mul3A_269, %add3A_270 : i32
      %add3A_272 = arith.constant 5 : i32
      %add3A_273 = arith.addi %add3A_271, %add3A_272 : i32
      %add3A_274 = vector.broadcast %add3A_273 : i32 to vector<16xi32>
      %add3A_275 = arith.addi %mul3A_6, %add3A_274 : vector<16xi32>
      tpu.vector_store_idx %arg7[%add3A_275], %scan3A_226#5 : memref<2048xf32, #tpu.memory_space<vmem>>[vector<16xi32>], vector<16xf32>,
      %mul3A_276 = arith.constant 1024 : i32
      %mul3A_277 = arith.muli %scan3A_24, %mul3A_276 : i32
      %add3A_278 = arith.constant 16 : i32
      %add3A_279 = arith.addi %mul3A_277, %add3A_278 : i32
      %add3A_280 = arith.constant 6 : i32
      %add3A_281 = arith.addi %add3A_279, %add3A_280 : i32
      %add3A_282 = vector.broadcast %add3A_281 : i32 to vector<16xi32>
      %add3A_283 = arith.addi %mul3A_6, %add3A_282 : vector<16xi32>
      tpu.vector_store_idx %arg7[%add3A_283], %scan3A_226#6 : memref<2048xf32, #tpu.memory_space<vmem>>[vector<16xi32>], vector<16xf32>,
      %mul3A_284 = arith.constant 1024 : i32
      %mul3A_285 = arith.muli %scan3A_24, %mul3A_284 : i32
      %add3A_286 = arith.constant 16 : i32
      %add3A_287 = arith.addi %mul3A_285, %add3A_286 : i32
      %add3A_288 = arith.constant 7 : i32
      %add3A_289 = arith.addi %add3A_287, %add3A_288 : i32
      %add3A_290 = vector.broadcast %add3A_289 : i32 to vector<16xi32>
      %add3A_291 = arith.addi %mul3A_6, %add3A_290 : vector<16xi32>
      tpu.vector_store_idx %arg7[%add3A_291], %scan3A_226#7 : memref<2048xf32, #tpu.memory_space<vmem>>[vector<16xi32>], vector<16xf32>,
      %mul3A_292 = arith.constant 1024 : i32
      %mul3A_293 = arith.muli %scan3A_24, %mul3A_292 : i32
      %add3A_294 = arith.constant 16 : i32
      %add3A_295 = arith.addi %mul3A_293, %add3A_294 : i32
      %add3A_296 = arith.constant 8 : i32
      %add3A_297 = arith.addi %add3A_295, %add3A_296 : i32
      %add3A_298 = vector.broadcast %add3A_297 : i32 to vector<16xi32>
      %add3A_299 = arith.addi %mul3A_6, %add3A_298 : vector<16xi32>
      tpu.vector_store_idx %arg7[%add3A_299], %scan3A_226#8 : memref<2048xf32, #tpu.memory_space<vmem>>[vector<16xi32>], vector<16xf32>,
      %mul3A_300 = arith.constant 1024 : i32
      %mul3A_301 = arith.muli %scan3A_24, %mul3A_300 : i32
      %add3A_302 = arith.constant 16 : i32
      %add3A_303 = arith.addi %mul3A_301, %add3A_302 : i32
      %add3A_304 = arith.constant 9 : i32
      %add3A_305 = arith.addi %add3A_303, %add3A_304 : i32
      %add3A_306 = vector.broadcast %add3A_305 : i32 to vector<16xi32>
      %add3A_307 = arith.addi %mul3A_6, %add3A_306 : vector<16xi32>
      tpu.vector_store_idx %arg7[%add3A_307], %scan3A_226#9 : memref<2048xf32, #tpu.memory_space<vmem>>[vector<16xi32>], vector<16xf32>,
      %mul3A_308 = arith.constant 1024 : i32
      %mul3A_309 = arith.muli %scan3A_24, %mul3A_308 : i32
      %add3A_310 = arith.constant 16 : i32
      %add3A_311 = arith.addi %mul3A_309, %add3A_310 : i32
      %add3A_312 = arith.constant 10 : i32
      %add3A_313 = arith.addi %add3A_311, %add3A_312 : i32
      %add3A_314 = vector.broadcast %add3A_313 : i32 to vector<16xi32>
      %add3A_315 = arith.addi %mul3A_6, %add3A_314 : vector<16xi32>
      tpu.vector_store_idx %arg7[%add3A_315], %scan3A_226#10 : memref<2048xf32, #tpu.memory_space<vmem>>[vector<16xi32>], vector<16xf32>,
      %mul3A_316 = arith.constant 1024 : i32
      %mul3A_317 = arith.muli %scan3A_24, %mul3A_316 : i32
      %add3A_318 = arith.constant 16 : i32
      %add3A_319 = arith.addi %mul3A_317, %add3A_318 : i32
      %add3A_320 = arith.constant 11 : i32
      %add3A_321 = arith.addi %add3A_319, %add3A_320 : i32
      %add3A_322 = vector.broadcast %add3A_321 : i32 to vector<16xi32>
      %add3A_323 = arith.addi %mul3A_6, %add3A_322 : vector<16xi32>
      tpu.vector_store_idx %arg7[%add3A_323], %scan3A_226#11 : memref<2048xf32, #tpu.memory_space<vmem>>[vector<16xi32>], vector<16xf32>,
      %mul3A_324 = arith.constant 1024 : i32
      %mul3A_325 = arith.muli %scan3A_24, %mul3A_324 : i32
      %add3A_326 = arith.constant 16 : i32
      %add3A_327 = arith.addi %mul3A_325, %add3A_326 : i32
      %add3A_328 = arith.constant 12 : i32
      %add3A_329 = arith.addi %add3A_327, %add3A_328 : i32
      %add3A_330 = vector.broadcast %add3A_329 : i32 to vector<16xi32>
      %add3A_331 = arith.addi %mul3A_6, %add3A_330 : vector<16xi32>
      tpu.vector_store_idx %arg7[%add3A_331], %scan3A_226#12 : memref<2048xf32, #tpu.memory_space<vmem>>[vector<16xi32>], vector<16xf32>,
      %mul3A_332 = arith.constant 1024 : i32
      %mul3A_333 = arith.muli %scan3A_24, %mul3A_332 : i32
      %add3A_334 = arith.constant 16 : i32
      %add3A_335 = arith.addi %mul3A_333, %add3A_334 : i32
      %add3A_336 = arith.constant 13 : i32
      %add3A_337 = arith.addi %add3A_335, %add3A_336 : i32
      %add3A_338 = vector.broadcast %add3A_337 : i32 to vector<16xi32>
      %add3A_339 = arith.addi %mul3A_6, %add3A_338 : vector<16xi32>
      tpu.vector_store_idx %arg7[%add3A_339], %scan3A_226#13 : memref<2048xf32, #tpu.memory_space<vmem>>[vector<16xi32>], vector<16xf32>,
      %mul3A_340 = arith.constant 1024 : i32
      %mul3A_341 = arith.muli %scan3A_24, %mul3A_340 : i32
      %add3A_342 = arith.constant 16 : i32
      %add3A_343 = arith.addi %mul3A_341, %add3A_342 : i32
      %add3A_344 = arith.constant 14 : i32
      %add3A_345 = arith.addi %add3A_343, %add3A_344 : i32
      %add3A_346 = vector.broadcast %add3A_345 : i32 to vector<16xi32>
      %add3A_347 = arith.addi %mul3A_6, %add3A_346 : vector<16xi32>
      tpu.vector_store_idx %arg7[%add3A_347], %scan3A_226#14 : memref<2048xf32, #tpu.memory_space<vmem>>[vector<16xi32>], vector<16xf32>,
      %mul3A_348 = arith.constant 1024 : i32
      %mul3A_349 = arith.muli %scan3A_24, %mul3A_348 : i32
      %add3A_350 = arith.constant 16 : i32
      %add3A_351 = arith.addi %mul3A_349, %add3A_350 : i32
      %add3A_352 = arith.constant 15 : i32
      %add3A_353 = arith.addi %add3A_351, %add3A_352 : i32
      %add3A_354 = vector.broadcast %add3A_353 : i32 to vector<16xi32>
      %add3A_355 = arith.addi %mul3A_6, %add3A_354 : vector<16xi32>
      tpu.vector_store_idx %arg7[%add3A_355], %scan3A_226#15 : memref<2048xf32, #tpu.memory_space<vmem>>[vector<16xi32>], vector<16xf32>,
      %broadcast_in_dim3A_356 = arith.constant 0.000000e+00 : f32
      %broadcast_in_dim3A_357 = vector.broadcast %broadcast_in_dim3A_356 : f32 to vector<16xf32>
      %broadcast_in_dim3A_358 = arith.constant 0.000000e+00 : f32
      %broadcast_in_dim3A_359 = vector.broadcast %broadcast_in_dim3A_358 : f32 to vector<16xf32>
      %broadcast_in_dim3A_360 = arith.constant 0.000000e+00 : f32
      %broadcast_in_dim3A_361 = vector.broadcast %broadcast_in_dim3A_360 : f32 to vector<16xf32>
      %broadcast_in_dim3A_362 = arith.constant 0.000000e+00 : f32
      %broadcast_in_dim3A_363 = vector.broadcast %broadcast_in_dim3A_362 : f32 to vector<16xf32>
      %broadcast_in_dim3A_364 = arith.constant 0.000000e+00 : f32
      %broadcast_in_dim3A_365 = vector.broadcast %broadcast_in_dim3A_364 : f32 to vector<16xf32>
      %broadcast_in_dim3A_366 = arith.constant 0.000000e+00 : f32
      %broadcast_in_dim3A_367 = vector.broadcast %broadcast_in_dim3A_366 : f32 to vector<16xf32>
      %broadcast_in_dim3A_368 = arith.constant 0.000000e+00 : f32
      %broadcast_in_dim3A_369 = vector.broadcast %broadcast_in_dim3A_368 : f32 to vector<16xf32>
      %broadcast_in_dim3A_370 = arith.constant 0.000000e+00 : f32
      %broadcast_in_dim3A_371 = vector.broadcast %broadcast_in_dim3A_370 : f32 to vector<16xf32>
      %broadcast_in_dim3A_372 = arith.constant 0.000000e+00 : f32
      %broadcast_in_dim3A_373 = vector.broadcast %broadcast_in_dim3A_372 : f32 to vector<16xf32>
      %broadcast_in_dim3A_374 = arith.constant 0.000000e+00 : f32
      %broadcast_in_dim3A_375 = vector.broadcast %broadcast_in_dim3A_374 : f32 to vector<16xf32>
      %broadcast_in_dim3A_376 = arith.constant 0.000000e+00 : f32
      %broadcast_in_dim3A_377 = vector.broadcast %broadcast_in_dim3A_376 : f32 to vector<16xf32>
      %broadcast_in_dim3A_378 = arith.constant 0.000000e+00 : f32
      %broadcast_in_dim3A_379 = vector.broadcast %broadcast_in_dim3A_378 : f32 to vector<16xf32>
      %broadcast_in_dim3A_380 = arith.constant 0.000000e+00 : f32
      %broadcast_in_dim3A_381 = vector.broadcast %broadcast_in_dim3A_380 : f32 to vector<16xf32>
      %broadcast_in_dim3A_382 = arith.constant 0.000000e+00 : f32
      %broadcast_in_dim3A_383 = vector.broadcast %broadcast_in_dim3A_382 : f32 to vector<16xf32>
      %broadcast_in_dim3A_384 = arith.constant 0.000000e+00 : f32
      %broadcast_in_dim3A_385 = vector.broadcast %broadcast_in_dim3A_384 : f32 to vector<16xf32>
      %broadcast_in_dim3A_386 = arith.constant 0.000000e+00 : f32
      %broadcast_in_dim3A_387 = vector.broadcast %broadcast_in_dim3A_386 : f32 to vector<16xf32>
      %scan3A_388 = arith.constant 0 : i32
      %scan3A_389 = arith.constant 100 : i32
      %scan3A_390 = arith.addi %scan3A_388, %scan3A_389 : i32
      %scan3A_391 = arith.constant 1 : i32
      %scan3A_392:16 = scf.for %scan3A_688 = %scan3A_388 to %scan3A_390 step %scan3A_391 iter_args(%scan3A_689 = %broadcast_in_dim3A_357, %scan3A_690 = %broadcast_in_dim3A_359, %scan3A_691 = %broadcast_in_dim3A_361, %scan3A_692 = %broadcast_in_dim3A_363, %scan3A_693 = %broadcast_in_dim3A_365, %scan3A_694 = %broadcast_in_dim3A_367, %scan3A_695 = %broadcast_in_dim3A_369, %scan3A_696 = %broadcast_in_dim3A_371, %scan3A_697 = %broadcast_in_dim3A_373, %scan3A_698 = %broadcast_in_dim3A_375, %scan3A_699 = %broadcast_in_dim3A_377, %scan3A_700 = %broadcast_in_dim3A_379, %scan3A_701 = %broadcast_in_dim3A_381, %scan3A_702 = %broadcast_in_dim3A_383, %scan3A_703 = %broadcast_in_dim3A_385, %scan3A_704 = %broadcast_in_dim3A_387) -> (vector<16xf32>, vector<16xf32>, vector<16xf32>, vector<16xf32>, vector<16xf32>, vector<16xf32>, vector<16xf32>, vector<16xf32>, vector<16xf32>, vector<16xf32>, vector<16xf32>, vector<16xf32>, vector<16xf32>, vector<16xf32>, vector<16xf32>, vector<16xf32>)  : i32 {
        %mul3A_705 = arith.constant 1600 : i32
        %mul3A_706 = arith.muli %scan3A_24, %mul3A_705 : i32
        %add3A_707 = arith.addi %mul3A_706, %scan3A_688 : i32
        %add3A_708 = vector.broadcast %add3A_707 : i32 to vector<16xi32>
        %add3A_709 = arith.addi %mul3A_3, %add3A_708 : vector<16xi32>
        %gather3A = tpu.vector_load_idx %arg5[%add3A_709] : memref<3200xi32, #tpu.memory_space<vmem>>[vector<16xi32>], vector<16xi32>,
        %add3A_710 = arith.constant 32 : i32
        %add3A_711 = vector.broadcast %add3A_710 : i32 to vector<16xi32>
        %add3A_712 = arith.addi %gather3A, %add3A_711 : vector<16xi32>
        %gather3A_713 = tpu.vector_load_idx %arg6[%add3A_712] : memref<65536xf32, #tpu.memory_space<vmem>>[vector<16xi32>], vector<16xf32>,
        %add3A_714 = arith.addf %scan3A_689, %gather3A_713 : vector<16xf32>
        %add3A_715 = arith.constant 33 : i32
        %add3A_716 = vector.broadcast %add3A_715 : i32 to vector<16xi32>
        %add3A_717 = arith.addi %gather3A, %add3A_716 : vector<16xi32>
        %gather3A_718 = tpu.vector_load_idx %arg6[%add3A_717] : memref<65536xf32, #tpu.memory_space<vmem>>[vector<16xi32>], vector<16xf32>,
        %add3A_719 = arith.addf %scan3A_690, %gather3A_718 : vector<16xf32>
        %add3A_720 = arith.constant 34 : i32
        %add3A_721 = vector.broadcast %add3A_720 : i32 to vector<16xi32>
        %add3A_722 = arith.addi %gather3A, %add3A_721 : vector<16xi32>
        %gather3A_723 = tpu.vector_load_idx %arg6[%add3A_722] : memref<65536xf32, #tpu.memory_space<vmem>>[vector<16xi32>], vector<16xf32>,
        %add3A_724 = arith.addf %scan3A_691, %gather3A_723 : vector<16xf32>
        %add3A_725 = arith.constant 35 : i32
        %add3A_726 = vector.broadcast %add3A_725 : i32 to vector<16xi32>
        %add3A_727 = arith.addi %gather3A, %add3A_726 : vector<16xi32>
        %gather3A_728 = tpu.vector_load_idx %arg6[%add3A_727] : memref<65536xf32, #tpu.memory_space<vmem>>[vector<16xi32>], vector<16xf32>,
        %add3A_729 = arith.addf %scan3A_692, %gather3A_728 : vector<16xf32>
        %add3A_730 = arith.constant 36 : i32
        %add3A_731 = vector.broadcast %add3A_730 : i32 to vector<16xi32>
        %add3A_732 = arith.addi %gather3A, %add3A_731 : vector<16xi32>
        %gather3A_733 = tpu.vector_load_idx %arg6[%add3A_732] : memref<65536xf32, #tpu.memory_space<vmem>>[vector<16xi32>], vector<16xf32>,
        %add3A_734 = arith.addf %scan3A_693, %gather3A_733 : vector<16xf32>
        %add3A_735 = arith.constant 37 : i32
        %add3A_736 = vector.broadcast %add3A_735 : i32 to vector<16xi32>
        %add3A_737 = arith.addi %gather3A, %add3A_736 : vector<16xi32>
        %gather3A_738 = tpu.vector_load_idx %arg6[%add3A_737] : memref<65536xf32, #tpu.memory_space<vmem>>[vector<16xi32>], vector<16xf32>,
        %add3A_739 = arith.addf %scan3A_694, %gather3A_738 : vector<16xf32>
        %add3A_740 = arith.constant 38 : i32
        %add3A_741 = vector.broadcast %add3A_740 : i32 to vector<16xi32>
        %add3A_742 = arith.addi %gather3A, %add3A_741 : vector<16xi32>
        %gather3A_743 = tpu.vector_load_idx %arg6[%add3A_742] : memref<65536xf32, #tpu.memory_space<vmem>>[vector<16xi32>], vector<16xf32>,
        %add3A_744 = arith.addf %scan3A_695, %gather3A_743 : vector<16xf32>
        %add3A_745 = arith.constant 39 : i32
        %add3A_746 = vector.broadcast %add3A_745 : i32 to vector<16xi32>
        %add3A_747 = arith.addi %gather3A, %add3A_746 : vector<16xi32>
        %gather3A_748 = tpu.vector_load_idx %arg6[%add3A_747] : memref<65536xf32, #tpu.memory_space<vmem>>[vector<16xi32>], vector<16xf32>,
        %add3A_749 = arith.addf %scan3A_696, %gather3A_748 : vector<16xf32>
        %add3A_750 = arith.constant 40 : i32
        %add3A_751 = vector.broadcast %add3A_750 : i32 to vector<16xi32>
        %add3A_752 = arith.addi %gather3A, %add3A_751 : vector<16xi32>
        %gather3A_753 = tpu.vector_load_idx %arg6[%add3A_752] : memref<65536xf32, #tpu.memory_space<vmem>>[vector<16xi32>], vector<16xf32>,
        %add3A_754 = arith.addf %scan3A_697, %gather3A_753 : vector<16xf32>
        %add3A_755 = arith.constant 41 : i32
        %add3A_756 = vector.broadcast %add3A_755 : i32 to vector<16xi32>
        %add3A_757 = arith.addi %gather3A, %add3A_756 : vector<16xi32>
        %gather3A_758 = tpu.vector_load_idx %arg6[%add3A_757] : memref<65536xf32, #tpu.memory_space<vmem>>[vector<16xi32>], vector<16xf32>,
        %add3A_759 = arith.addf %scan3A_698, %gather3A_758 : vector<16xf32>
        %add3A_760 = arith.constant 42 : i32
        %add3A_761 = vector.broadcast %add3A_760 : i32 to vector<16xi32>
        %add3A_762 = arith.addi %gather3A, %add3A_761 : vector<16xi32>
        %gather3A_763 = tpu.vector_load_idx %arg6[%add3A_762] : memref<65536xf32, #tpu.memory_space<vmem>>[vector<16xi32>], vector<16xf32>,
        %add3A_764 = arith.addf %scan3A_699, %gather3A_763 : vector<16xf32>
        %add3A_765 = arith.constant 43 : i32
        %add3A_766 = vector.broadcast %add3A_765 : i32 to vector<16xi32>
        %add3A_767 = arith.addi %gather3A, %add3A_766 : vector<16xi32>
        %gather3A_768 = tpu.vector_load_idx %arg6[%add3A_767] : memref<65536xf32, #tpu.memory_space<vmem>>[vector<16xi32>], vector<16xf32>,
        %add3A_769 = arith.addf %scan3A_700, %gather3A_768 : vector<16xf32>
        %add3A_770 = arith.constant 44 : i32
        %add3A_771 = vector.broadcast %add3A_770 : i32 to vector<16xi32>
        %add3A_772 = arith.addi %gather3A, %add3A_771 : vector<16xi32>
        %gather3A_773 = tpu.vector_load_idx %arg6[%add3A_772] : memref<65536xf32, #tpu.memory_space<vmem>>[vector<16xi32>], vector<16xf32>,
        %add3A_774 = arith.addf %scan3A_701, %gather3A_773 : vector<16xf32>
        %add3A_775 = arith.constant 45 : i32
        %add3A_776 = vector.broadcast %add3A_775 : i32 to vector<16xi32>
        %add3A_777 = arith.addi %gather3A, %add3A_776 : vector<16xi32>
        %gather3A_778 = tpu.vector_load_idx %arg6[%add3A_777] : memref<65536xf32, #tpu.memory_space<vmem>>[vector<16xi32>], vector<16xf32>,
        %add3A_779 = arith.addf %scan3A_702, %gather3A_778 : vector<16xf32>
        %add3A_780 = arith.constant 46 : i32
        %add3A_781 = vector.broadcast %add3A_780 : i32 to vector<16xi32>
        %add3A_782 = arith.addi %gather3A, %add3A_781 : vector<16xi32>
        %gather3A_783 = tpu.vector_load_idx %arg6[%add3A_782] : memref<65536xf32, #tpu.memory_space<vmem>>[vector<16xi32>], vector<16xf32>,
        %add3A_784 = arith.addf %scan3A_703, %gather3A_783 : vector<16xf32>
        %add3A_785 = arith.constant 47 : i32
        %add3A_786 = vector.broadcast %add3A_785 : i32 to vector<16xi32>
        %add3A_787 = arith.addi %gather3A, %add3A_786 : vector<16xi32>
        %gather3A_788 = tpu.vector_load_idx %arg6[%add3A_787] : memref<65536xf32, #tpu.memory_space<vmem>>[vector<16xi32>], vector<16xf32>,
        %add3A_789 = arith.addf %scan3A_704, %gather3A_788 : vector<16xf32>
        scf.yield %add3A_714, %add3A_719, %add3A_724, %add3A_729, %add3A_734, %add3A_739, %add3A_744, %add3A_749, %add3A_754, %add3A_759, %add3A_764, %add3A_769, %add3A_774, %add3A_779, %add3A_784, %add3A_789 : vector<16xf32>, vector<16xf32>, vector<16xf32>, vector<16xf32>, vector<16xf32>, vector<16xf32>, vector<16xf32>, vector<16xf32>, vector<16xf32>, vector<16xf32>, vector<16xf32>, vector<16xf32>, vector<16xf32>, vector<16xf32>, vector<16xf32>, vector<16xf32>
      }
      %scan3A_393 = arith.constant 100 : i32
      %mul3A_394 = arith.constant 1024 : i32
      %mul3A_395 = arith.muli %scan3A_24, %mul3A_394 : i32
      %add3A_396 = arith.constant 32 : i32
      %add3A_397 = arith.addi %mul3A_395, %add3A_396 : i32
      %add3A_398 = arith.constant 0 : i32
      %add3A_399 = arith.addi %add3A_397, %add3A_398 : i32
      %add3A_400 = vector.broadcast %add3A_399 : i32 to vector<16xi32>
      %add3A_401 = arith.addi %mul3A_6, %add3A_400 : vector<16xi32>
      tpu.vector_store_idx %arg7[%add3A_401], %scan3A_392#0 : memref<2048xf32, #tpu.memory_space<vmem>>[vector<16xi32>], vector<16xf32>,
      %mul3A_402 = arith.constant 1024 : i32
      %mul3A_403 = arith.muli %scan3A_24, %mul3A_402 : i32
      %add3A_404 = arith.constant 32 : i32
      %add3A_405 = arith.addi %mul3A_403, %add3A_404 : i32
      %add3A_406 = arith.constant 1 : i32
      %add3A_407 = arith.addi %add3A_405, %add3A_406 : i32
      %add3A_408 = vector.broadcast %add3A_407 : i32 to vector<16xi32>
      %add3A_409 = arith.addi %mul3A_6, %add3A_408 : vector<16xi32>
      tpu.vector_store_idx %arg7[%add3A_409], %scan3A_392#1 : memref<2048xf32, #tpu.memory_space<vmem>>[vector<16xi32>], vector<16xf32>,
      %mul3A_410 = arith.constant 1024 : i32
      %mul3A_411 = arith.muli %scan3A_24, %mul3A_410 : i32
      %add3A_412 = arith.constant 32 : i32
      %add3A_413 = arith.addi %mul3A_411, %add3A_412 : i32
      %add3A_414 = arith.constant 2 : i32
      %add3A_415 = arith.addi %add3A_413, %add3A_414 : i32
      %add3A_416 = vector.broadcast %add3A_415 : i32 to vector<16xi32>
      %add3A_417 = arith.addi %mul3A_6, %add3A_416 : vector<16xi32>
      tpu.vector_store_idx %arg7[%add3A_417], %scan3A_392#2 : memref<2048xf32, #tpu.memory_space<vmem>>[vector<16xi32>], vector<16xf32>,
      %mul3A_418 = arith.constant 1024 : i32
      %mul3A_419 = arith.muli %scan3A_24, %mul3A_418 : i32
      %add3A_420 = arith.constant 32 : i32
      %add3A_421 = arith.addi %mul3A_419, %add3A_420 : i32
      %add3A_422 = arith.constant 3 : i32
      %add3A_423 = arith.addi %add3A_421, %add3A_422 : i32
      %add3A_424 = vector.broadcast %add3A_423 : i32 to vector<16xi32>
      %add3A_425 = arith.addi %mul3A_6, %add3A_424 : vector<16xi32>
      tpu.vector_store_idx %arg7[%add3A_425], %scan3A_392#3 : memref<2048xf32, #tpu.memory_space<vmem>>[vector<16xi32>], vector<16xf32>,
      %mul3A_426 = arith.constant 1024 : i32
      %mul3A_427 = arith.muli %scan3A_24, %mul3A_426 : i32
      %add3A_428 = arith.constant 32 : i32
      %add3A_429 = arith.addi %mul3A_427, %add3A_428 : i32
      %add3A_430 = arith.constant 4 : i32
      %add3A_431 = arith.addi %add3A_429, %add3A_430 : i32
      %add3A_432 = vector.broadcast %add3A_431 : i32 to vector<16xi32>
      %add3A_433 = arith.addi %mul3A_6, %add3A_432 : vector<16xi32>
      tpu.vector_store_idx %arg7[%add3A_433], %scan3A_392#4 : memref<2048xf32, #tpu.memory_space<vmem>>[vector<16xi32>], vector<16xf32>,
      %mul3A_434 = arith.constant 1024 : i32
      %mul3A_435 = arith.muli %scan3A_24, %mul3A_434 : i32
      %add3A_436 = arith.constant 32 : i32
      %add3A_437 = arith.addi %mul3A_435, %add3A_436 : i32
      %add3A_438 = arith.constant 5 : i32
      %add3A_439 = arith.addi %add3A_437, %add3A_438 : i32
      %add3A_440 = vector.broadcast %add3A_439 : i32 to vector<16xi32>
      %add3A_441 = arith.addi %mul3A_6, %add3A_440 : vector<16xi32>
      tpu.vector_store_idx %arg7[%add3A_441], %scan3A_392#5 : memref<2048xf32, #tpu.memory_space<vmem>>[vector<16xi32>], vector<16xf32>,
      %mul3A_442 = arith.constant 1024 : i32
      %mul3A_443 = arith.muli %scan3A_24, %mul3A_442 : i32
      %add3A_444 = arith.constant 32 : i32
      %add3A_445 = arith.addi %mul3A_443, %add3A_444 : i32
      %add3A_446 = arith.constant 6 : i32
      %add3A_447 = arith.addi %add3A_445, %add3A_446 : i32
      %add3A_448 = vector.broadcast %add3A_447 : i32 to vector<16xi32>
      %add3A_449 = arith.addi %mul3A_6, %add3A_448 : vector<16xi32>
      tpu.vector_store_idx %arg7[%add3A_449], %scan3A_392#6 : memref<2048xf32, #tpu.memory_space<vmem>>[vector<16xi32>], vector<16xf32>,
      %mul3A_450 = arith.constant 1024 : i32
      %mul3A_451 = arith.muli %scan3A_24, %mul3A_450 : i32
      %add3A_452 = arith.constant 32 : i32
      %add3A_453 = arith.addi %mul3A_451, %add3A_452 : i32
      %add3A_454 = arith.constant 7 : i32
      %add3A_455 = arith.addi %add3A_453, %add3A_454 : i32
      %add3A_456 = vector.broadcast %add3A_455 : i32 to vector<16xi32>
      %add3A_457 = arith.addi %mul3A_6, %add3A_456 : vector<16xi32>
      tpu.vector_store_idx %arg7[%add3A_457], %scan3A_392#7 : memref<2048xf32, #tpu.memory_space<vmem>>[vector<16xi32>], vector<16xf32>,
      %mul3A_458 = arith.constant 1024 : i32
      %mul3A_459 = arith.muli %scan3A_24, %mul3A_458 : i32
      %add3A_460 = arith.constant 32 : i32
      %add3A_461 = arith.addi %mul3A_459, %add3A_460 : i32
      %add3A_462 = arith.constant 8 : i32
      %add3A_463 = arith.addi %add3A_461, %add3A_462 : i32
      %add3A_464 = vector.broadcast %add3A_463 : i32 to vector<16xi32>
      %add3A_465 = arith.addi %mul3A_6, %add3A_464 : vector<16xi32>
      tpu.vector_store_idx %arg7[%add3A_465], %scan3A_392#8 : memref<2048xf32, #tpu.memory_space<vmem>>[vector<16xi32>], vector<16xf32>,
      %mul3A_466 = arith.constant 1024 : i32
      %mul3A_467 = arith.muli %scan3A_24, %mul3A_466 : i32
      %add3A_468 = arith.constant 32 : i32
      %add3A_469 = arith.addi %mul3A_467, %add3A_468 : i32
      %add3A_470 = arith.constant 9 : i32
      %add3A_471 = arith.addi %add3A_469, %add3A_470 : i32
      %add3A_472 = vector.broadcast %add3A_471 : i32 to vector<16xi32>
      %add3A_473 = arith.addi %mul3A_6, %add3A_472 : vector<16xi32>
      tpu.vector_store_idx %arg7[%add3A_473], %scan3A_392#9 : memref<2048xf32, #tpu.memory_space<vmem>>[vector<16xi32>], vector<16xf32>,
      %mul3A_474 = arith.constant 1024 : i32
      %mul3A_475 = arith.muli %scan3A_24, %mul3A_474 : i32
      %add3A_476 = arith.constant 32 : i32
      %add3A_477 = arith.addi %mul3A_475, %add3A_476 : i32
      %add3A_478 = arith.constant 10 : i32
      %add3A_479 = arith.addi %add3A_477, %add3A_478 : i32
      %add3A_480 = vector.broadcast %add3A_479 : i32 to vector<16xi32>
      %add3A_481 = arith.addi %mul3A_6, %add3A_480 : vector<16xi32>
      tpu.vector_store_idx %arg7[%add3A_481], %scan3A_392#10 : memref<2048xf32, #tpu.memory_space<vmem>>[vector<16xi32>], vector<16xf32>,
      %mul3A_482 = arith.constant 1024 : i32
      %mul3A_483 = arith.muli %scan3A_24, %mul3A_482 : i32
      %add3A_484 = arith.constant 32 : i32
      %add3A_485 = arith.addi %mul3A_483, %add3A_484 : i32
      %add3A_486 = arith.constant 11 : i32
      %add3A_487 = arith.addi %add3A_485, %add3A_486 : i32
      %add3A_488 = vector.broadcast %add3A_487 : i32 to vector<16xi32>
      %add3A_489 = arith.addi %mul3A_6, %add3A_488 : vector<16xi32>
      tpu.vector_store_idx %arg7[%add3A_489], %scan3A_392#11 : memref<2048xf32, #tpu.memory_space<vmem>>[vector<16xi32>], vector<16xf32>,
      %mul3A_490 = arith.constant 1024 : i32
      %mul3A_491 = arith.muli %scan3A_24, %mul3A_490 : i32
      %add3A_492 = arith.constant 32 : i32
      %add3A_493 = arith.addi %mul3A_491, %add3A_492 : i32
      %add3A_494 = arith.constant 12 : i32
      %add3A_495 = arith.addi %add3A_493, %add3A_494 : i32
      %add3A_496 = vector.broadcast %add3A_495 : i32 to vector<16xi32>
      %add3A_497 = arith.addi %mul3A_6, %add3A_496 : vector<16xi32>
      tpu.vector_store_idx %arg7[%add3A_497], %scan3A_392#12 : memref<2048xf32, #tpu.memory_space<vmem>>[vector<16xi32>], vector<16xf32>,
      %mul3A_498 = arith.constant 1024 : i32
      %mul3A_499 = arith.muli %scan3A_24, %mul3A_498 : i32
      %add3A_500 = arith.constant 32 : i32
      %add3A_501 = arith.addi %mul3A_499, %add3A_500 : i32
      %add3A_502 = arith.constant 13 : i32
      %add3A_503 = arith.addi %add3A_501, %add3A_502 : i32
      %add3A_504 = vector.broadcast %add3A_503 : i32 to vector<16xi32>
      %add3A_505 = arith.addi %mul3A_6, %add3A_504 : vector<16xi32>
      tpu.vector_store_idx %arg7[%add3A_505], %scan3A_392#13 : memref<2048xf32, #tpu.memory_space<vmem>>[vector<16xi32>], vector<16xf32>,
      %mul3A_506 = arith.constant 1024 : i32
      %mul3A_507 = arith.muli %scan3A_24, %mul3A_506 : i32
      %add3A_508 = arith.constant 32 : i32
      %add3A_509 = arith.addi %mul3A_507, %add3A_508 : i32
      %add3A_510 = arith.constant 14 : i32
      %add3A_511 = arith.addi %add3A_509, %add3A_510 : i32
      %add3A_512 = vector.broadcast %add3A_511 : i32 to vector<16xi32>
      %add3A_513 = arith.addi %mul3A_6, %add3A_512 : vector<16xi32>
      tpu.vector_store_idx %arg7[%add3A_513], %scan3A_392#14 : memref<2048xf32, #tpu.memory_space<vmem>>[vector<16xi32>], vector<16xf32>,
      %mul3A_514 = arith.constant 1024 : i32
      %mul3A_515 = arith.muli %scan3A_24, %mul3A_514 : i32
      %add3A_516 = arith.constant 32 : i32
      %add3A_517 = arith.addi %mul3A_515, %add3A_516 : i32
      %add3A_518 = arith.constant 15 : i32
      %add3A_519 = arith.addi %add3A_517, %add3A_518 : i32
      %add3A_520 = vector.broadcast %add3A_519 : i32 to vector<16xi32>
      %add3A_521 = arith.addi %mul3A_6, %add3A_520 : vector<16xi32>
      tpu.vector_store_idx %arg7[%add3A_521], %scan3A_392#15 : memref<2048xf32, #tpu.memory_space<vmem>>[vector<16xi32>], vector<16xf32>,
      %broadcast_in_dim3A_522 = arith.constant 0.000000e+00 : f32
      %broadcast_in_dim3A_523 = vector.broadcast %broadcast_in_dim3A_522 : f32 to vector<16xf32>
      %broadcast_in_dim3A_524 = arith.constant 0.000000e+00 : f32
      %broadcast_in_dim3A_525 = vector.broadcast %broadcast_in_dim3A_524 : f32 to vector<16xf32>
      %broadcast_in_dim3A_526 = arith.constant 0.000000e+00 : f32
      %broadcast_in_dim3A_527 = vector.broadcast %broadcast_in_dim3A_526 : f32 to vector<16xf32>
      %broadcast_in_dim3A_528 = arith.constant 0.000000e+00 : f32
      %broadcast_in_dim3A_529 = vector.broadcast %broadcast_in_dim3A_528 : f32 to vector<16xf32>
      %broadcast_in_dim3A_530 = arith.constant 0.000000e+00 : f32
      %broadcast_in_dim3A_531 = vector.broadcast %broadcast_in_dim3A_530 : f32 to vector<16xf32>
      %broadcast_in_dim3A_532 = arith.constant 0.000000e+00 : f32
      %broadcast_in_dim3A_533 = vector.broadcast %broadcast_in_dim3A_532 : f32 to vector<16xf32>
      %broadcast_in_dim3A_534 = arith.constant 0.000000e+00 : f32
      %broadcast_in_dim3A_535 = vector.broadcast %broadcast_in_dim3A_534 : f32 to vector<16xf32>
      %broadcast_in_dim3A_536 = arith.constant 0.000000e+00 : f32
      %broadcast_in_dim3A_537 = vector.broadcast %broadcast_in_dim3A_536 : f32 to vector<16xf32>
      %broadcast_in_dim3A_538 = arith.constant 0.000000e+00 : f32
      %broadcast_in_dim3A_539 = vector.broadcast %broadcast_in_dim3A_538 : f32 to vector<16xf32>
      %broadcast_in_dim3A_540 = arith.constant 0.000000e+00 : f32
      %broadcast_in_dim3A_541 = vector.broadcast %broadcast_in_dim3A_540 : f32 to vector<16xf32>
      %broadcast_in_dim3A_542 = arith.constant 0.000000e+00 : f32
      %broadcast_in_dim3A_543 = vector.broadcast %broadcast_in_dim3A_542 : f32 to vector<16xf32>
      %broadcast_in_dim3A_544 = arith.constant 0.000000e+00 : f32
      %broadcast_in_dim3A_545 = vector.broadcast %broadcast_in_dim3A_544 : f32 to vector<16xf32>
      %broadcast_in_dim3A_546 = arith.constant 0.000000e+00 : f32
      %broadcast_in_dim3A_547 = vector.broadcast %broadcast_in_dim3A_546 : f32 to vector<16xf32>
      %broadcast_in_dim3A_548 = arith.constant 0.000000e+00 : f32
      %broadcast_in_dim3A_549 = vector.broadcast %broadcast_in_dim3A_548 : f32 to vector<16xf32>
      %broadcast_in_dim3A_550 = arith.constant 0.000000e+00 : f32
      %broadcast_in_dim3A_551 = vector.broadcast %broadcast_in_dim3A_550 : f32 to vector<16xf32>
      %broadcast_in_dim3A_552 = arith.constant 0.000000e+00 : f32
      %broadcast_in_dim3A_553 = vector.broadcast %broadcast_in_dim3A_552 : f32 to vector<16xf32>
      %scan3A_554 = arith.constant 0 : i32
      %scan3A_555 = arith.constant 100 : i32
      %scan3A_556 = arith.addi %scan3A_554, %scan3A_555 : i32
      %scan3A_557 = arith.constant 1 : i32
      %scan3A_558:16 = scf.for %scan3A_688 = %scan3A_554 to %scan3A_556 step %scan3A_557 iter_args(%scan3A_689 = %broadcast_in_dim3A_523, %scan3A_690 = %broadcast_in_dim3A_525, %scan3A_691 = %broadcast_in_dim3A_527, %scan3A_692 = %broadcast_in_dim3A_529, %scan3A_693 = %broadcast_in_dim3A_531, %scan3A_694 = %broadcast_in_dim3A_533, %scan3A_695 = %broadcast_in_dim3A_535, %scan3A_696 = %broadcast_in_dim3A_537, %scan3A_697 = %broadcast_in_dim3A_539, %scan3A_698 = %broadcast_in_dim3A_541, %scan3A_699 = %broadcast_in_dim3A_543, %scan3A_700 = %broadcast_in_dim3A_545, %scan3A_701 = %broadcast_in_dim3A_547, %scan3A_702 = %broadcast_in_dim3A_549, %scan3A_703 = %broadcast_in_dim3A_551, %scan3A_704 = %broadcast_in_dim3A_553) -> (vector<16xf32>, vector<16xf32>, vector<16xf32>, vector<16xf32>, vector<16xf32>, vector<16xf32>, vector<16xf32>, vector<16xf32>, vector<16xf32>, vector<16xf32>, vector<16xf32>, vector<16xf32>, vector<16xf32>, vector<16xf32>, vector<16xf32>, vector<16xf32>)  : i32 {
        %mul3A_705 = arith.constant 1600 : i32
        %mul3A_706 = arith.muli %scan3A_24, %mul3A_705 : i32
        %add3A_707 = arith.addi %mul3A_706, %scan3A_688 : i32
        %add3A_708 = vector.broadcast %add3A_707 : i32 to vector<16xi32>
        %add3A_709 = arith.addi %mul3A_3, %add3A_708 : vector<16xi32>
        %gather3A = tpu.vector_load_idx %arg5[%add3A_709] : memref<3200xi32, #tpu.memory_space<vmem>>[vector<16xi32>], vector<16xi32>,
        %add3A_710 = arith.constant 48 : i32
        %add3A_711 = vector.broadcast %add3A_710 : i32 to vector<16xi32>
        %add3A_712 = arith.addi %gather3A, %add3A_711 : vector<16xi32>
        %gather3A_713 = tpu.vector_load_idx %arg6[%add3A_712] : memref<65536xf32, #tpu.memory_space<vmem>>[vector<16xi32>], vector<16xf32>,
        %add3A_714 = arith.addf %scan3A_689, %gather3A_713 : vector<16xf32>
        %add3A_715 = arith.constant 49 : i32
        %add3A_716 = vector.broadcast %add3A_715 : i32 to vector<16xi32>
        %add3A_717 = arith.addi %gather3A, %add3A_716 : vector<16xi32>
        %gather3A_718 = tpu.vector_load_idx %arg6[%add3A_717] : memref<65536xf32, #tpu.memory_space<vmem>>[vector<16xi32>], vector<16xf32>,
        %add3A_719 = arith.addf %scan3A_690, %gather3A_718 : vector<16xf32>
        %add3A_720 = arith.constant 50 : i32
        %add3A_721 = vector.broadcast %add3A_720 : i32 to vector<16xi32>
        %add3A_722 = arith.addi %gather3A, %add3A_721 : vector<16xi32>
        %gather3A_723 = tpu.vector_load_idx %arg6[%add3A_722] : memref<65536xf32, #tpu.memory_space<vmem>>[vector<16xi32>], vector<16xf32>,
        %add3A_724 = arith.addf %scan3A_691, %gather3A_723 : vector<16xf32>
        %add3A_725 = arith.constant 51 : i32
        %add3A_726 = vector.broadcast %add3A_725 : i32 to vector<16xi32>
        %add3A_727 = arith.addi %gather3A, %add3A_726 : vector<16xi32>
        %gather3A_728 = tpu.vector_load_idx %arg6[%add3A_727] : memref<65536xf32, #tpu.memory_space<vmem>>[vector<16xi32>], vector<16xf32>,
        %add3A_729 = arith.addf %scan3A_692, %gather3A_728 : vector<16xf32>
        %add3A_730 = arith.constant 52 : i32
        %add3A_731 = vector.broadcast %add3A_730 : i32 to vector<16xi32>
        %add3A_732 = arith.addi %gather3A, %add3A_731 : vector<16xi32>
        %gather3A_733 = tpu.vector_load_idx %arg6[%add3A_732] : memref<65536xf32, #tpu.memory_space<vmem>>[vector<16xi32>], vector<16xf32>,
        %add3A_734 = arith.addf %scan3A_693, %gather3A_733 : vector<16xf32>
        %add3A_735 = arith.constant 53 : i32
        %add3A_736 = vector.broadcast %add3A_735 : i32 to vector<16xi32>
        %add3A_737 = arith.addi %gather3A, %add3A_736 : vector<16xi32>
        %gather3A_738 = tpu.vector_load_idx %arg6[%add3A_737] : memref<65536xf32, #tpu.memory_space<vmem>>[vector<16xi32>], vector<16xf32>,
        %add3A_739 = arith.addf %scan3A_694, %gather3A_738 : vector<16xf32>
        %add3A_740 = arith.constant 54 : i32
        %add3A_741 = vector.broadcast %add3A_740 : i32 to vector<16xi32>
        %add3A_742 = arith.addi %gather3A, %add3A_741 : vector<16xi32>
        %gather3A_743 = tpu.vector_load_idx %arg6[%add3A_742] : memref<65536xf32, #tpu.memory_space<vmem>>[vector<16xi32>], vector<16xf32>,
        %add3A_744 = arith.addf %scan3A_695, %gather3A_743 : vector<16xf32>
        %add3A_745 = arith.constant 55 : i32
        %add3A_746 = vector.broadcast %add3A_745 : i32 to vector<16xi32>
        %add3A_747 = arith.addi %gather3A, %add3A_746 : vector<16xi32>
        %gather3A_748 = tpu.vector_load_idx %arg6[%add3A_747] : memref<65536xf32, #tpu.memory_space<vmem>>[vector<16xi32>], vector<16xf32>,
        %add3A_749 = arith.addf %scan3A_696, %gather3A_748 : vector<16xf32>
        %add3A_750 = arith.constant 56 : i32
        %add3A_751 = vector.broadcast %add3A_750 : i32 to vector<16xi32>
        %add3A_752 = arith.addi %gather3A, %add3A_751 : vector<16xi32>
        %gather3A_753 = tpu.vector_load_idx %arg6[%add3A_752] : memref<65536xf32, #tpu.memory_space<vmem>>[vector<16xi32>], vector<16xf32>,
        %add3A_754 = arith.addf %scan3A_697, %gather3A_753 : vector<16xf32>
        %add3A_755 = arith.constant 57 : i32
        %add3A_756 = vector.broadcast %add3A_755 : i32 to vector<16xi32>
        %add3A_757 = arith.addi %gather3A, %add3A_756 : vector<16xi32>
        %gather3A_758 = tpu.vector_load_idx %arg6[%add3A_757] : memref<65536xf32, #tpu.memory_space<vmem>>[vector<16xi32>], vector<16xf32>,
        %add3A_759 = arith.addf %scan3A_698, %gather3A_758 : vector<16xf32>
        %add3A_760 = arith.constant 58 : i32
        %add3A_761 = vector.broadcast %add3A_760 : i32 to vector<16xi32>
        %add3A_762 = arith.addi %gather3A, %add3A_761 : vector<16xi32>
        %gather3A_763 = tpu.vector_load_idx %arg6[%add3A_762] : memref<65536xf32, #tpu.memory_space<vmem>>[vector<16xi32>], vector<16xf32>,
        %add3A_764 = arith.addf %scan3A_699, %gather3A_763 : vector<16xf32>
        %add3A_765 = arith.constant 59 : i32
        %add3A_766 = vector.broadcast %add3A_765 : i32 to vector<16xi32>
        %add3A_767 = arith.addi %gather3A, %add3A_766 : vector<16xi32>
        %gather3A_768 = tpu.vector_load_idx %arg6[%add3A_767] : memref<65536xf32, #tpu.memory_space<vmem>>[vector<16xi32>], vector<16xf32>,
        %add3A_769 = arith.addf %scan3A_700, %gather3A_768 : vector<16xf32>
        %add3A_770 = arith.constant 60 : i32
        %add3A_771 = vector.broadcast %add3A_770 : i32 to vector<16xi32>
        %add3A_772 = arith.addi %gather3A, %add3A_771 : vector<16xi32>
        %gather3A_773 = tpu.vector_load_idx %arg6[%add3A_772] : memref<65536xf32, #tpu.memory_space<vmem>>[vector<16xi32>], vector<16xf32>,
        %add3A_774 = arith.addf %scan3A_701, %gather3A_773 : vector<16xf32>
        %add3A_775 = arith.constant 61 : i32
        %add3A_776 = vector.broadcast %add3A_775 : i32 to vector<16xi32>
        %add3A_777 = arith.addi %gather3A, %add3A_776 : vector<16xi32>
        %gather3A_778 = tpu.vector_load_idx %arg6[%add3A_777] : memref<65536xf32, #tpu.memory_space<vmem>>[vector<16xi32>], vector<16xf32>,
        %add3A_779 = arith.addf %scan3A_702, %gather3A_778 : vector<16xf32>
        %add3A_780 = arith.constant 62 : i32
        %add3A_781 = vector.broadcast %add3A_780 : i32 to vector<16xi32>
        %add3A_782 = arith.addi %gather3A, %add3A_781 : vector<16xi32>
        %gather3A_783 = tpu.vector_load_idx %arg6[%add3A_782] : memref<65536xf32, #tpu.memory_space<vmem>>[vector<16xi32>], vector<16xf32>,
        %add3A_784 = arith.addf %scan3A_703, %gather3A_783 : vector<16xf32>
        %add3A_785 = arith.constant 63 : i32
        %add3A_786 = vector.broadcast %add3A_785 : i32 to vector<16xi32>
        %add3A_787 = arith.addi %gather3A, %add3A_786 : vector<16xi32>
        %gather3A_788 = tpu.vector_load_idx %arg6[%add3A_787] : memref<65536xf32, #tpu.memory_space<vmem>>[vector<16xi32>], vector<16xf32>,
        %add3A_789 = arith.addf %scan3A_704, %gather3A_788 : vector<16xf32>
        scf.yield %add3A_714, %add3A_719, %add3A_724, %add3A_729, %add3A_734, %add3A_739, %add3A_744, %add3A_749, %add3A_754, %add3A_759, %add3A_764, %add3A_769, %add3A_774, %add3A_779, %add3A_784, %add3A_789 : vector<16xf32>, vector<16xf32>, vector<16xf32>, vector<16xf32>, vector<16xf32>, vector<16xf32>, vector<16xf32>, vector<16xf32>, vector<16xf32>, vector<16xf32>, vector<16xf32>, vector<16xf32>, vector<16xf32>, vector<16xf32>, vector<16xf32>, vector<16xf32>
      }
      %scan3A_559 = arith.constant 100 : i32
      %mul3A_560 = arith.constant 1024 : i32
      %mul3A_561 = arith.muli %scan3A_24, %mul3A_560 : i32
      %add3A_562 = arith.constant 48 : i32
      %add3A_563 = arith.addi %mul3A_561, %add3A_562 : i32
      %add3A_564 = arith.constant 0 : i32
      %add3A_565 = arith.addi %add3A_563, %add3A_564 : i32
      %add3A_566 = vector.broadcast %add3A_565 : i32 to vector<16xi32>
      %add3A_567 = arith.addi %mul3A_6, %add3A_566 : vector<16xi32>
      tpu.vector_store_idx %arg7[%add3A_567], %scan3A_558#0 : memref<2048xf32, #tpu.memory_space<vmem>>[vector<16xi32>], vector<16xf32>,
      %mul3A_568 = arith.constant 1024 : i32
      %mul3A_569 = arith.muli %scan3A_24, %mul3A_568 : i32
      %add3A_570 = arith.constant 48 : i32
      %add3A_571 = arith.addi %mul3A_569, %add3A_570 : i32
      %add3A_572 = arith.constant 1 : i32
      %add3A_573 = arith.addi %add3A_571, %add3A_572 : i32
      %add3A_574 = vector.broadcast %add3A_573 : i32 to vector<16xi32>
      %add3A_575 = arith.addi %mul3A_6, %add3A_574 : vector<16xi32>
      tpu.vector_store_idx %arg7[%add3A_575], %scan3A_558#1 : memref<2048xf32, #tpu.memory_space<vmem>>[vector<16xi32>], vector<16xf32>,
      %mul3A_576 = arith.constant 1024 : i32
      %mul3A_577 = arith.muli %scan3A_24, %mul3A_576 : i32
      %add3A_578 = arith.constant 48 : i32
      %add3A_579 = arith.addi %mul3A_577, %add3A_578 : i32
      %add3A_580 = arith.constant 2 : i32
      %add3A_581 = arith.addi %add3A_579, %add3A_580 : i32
      %add3A_582 = vector.broadcast %add3A_581 : i32 to vector<16xi32>
      %add3A_583 = arith.addi %mul3A_6, %add3A_582 : vector<16xi32>
      tpu.vector_store_idx %arg7[%add3A_583], %scan3A_558#2 : memref<2048xf32, #tpu.memory_space<vmem>>[vector<16xi32>], vector<16xf32>,
      %mul3A_584 = arith.constant 1024 : i32
      %mul3A_585 = arith.muli %scan3A_24, %mul3A_584 : i32
      %add3A_586 = arith.constant 48 : i32
      %add3A_587 = arith.addi %mul3A_585, %add3A_586 : i32
      %add3A_588 = arith.constant 3 : i32
      %add3A_589 = arith.addi %add3A_587, %add3A_588 : i32
      %add3A_590 = vector.broadcast %add3A_589 : i32 to vector<16xi32>
      %add3A_591 = arith.addi %mul3A_6, %add3A_590 : vector<16xi32>
      tpu.vector_store_idx %arg7[%add3A_591], %scan3A_558#3 : memref<2048xf32, #tpu.memory_space<vmem>>[vector<16xi32>], vector<16xf32>,
      %mul3A_592 = arith.constant 1024 : i32
      %mul3A_593 = arith.muli %scan3A_24, %mul3A_592 : i32
      %add3A_594 = arith.constant 48 : i32
      %add3A_595 = arith.addi %mul3A_593, %add3A_594 : i32
      %add3A_596 = arith.constant 4 : i32
      %add3A_597 = arith.addi %add3A_595, %add3A_596 : i32
      %add3A_598 = vector.broadcast %add3A_597 : i32 to vector<16xi32>
      %add3A_599 = arith.addi %mul3A_6, %add3A_598 : vector<16xi32>
      tpu.vector_store_idx %arg7[%add3A_599], %scan3A_558#4 : memref<2048xf32, #tpu.memory_space<vmem>>[vector<16xi32>], vector<16xf32>,
      %mul3A_600 = arith.constant 1024 : i32
      %mul3A_601 = arith.muli %scan3A_24, %mul3A_600 : i32
      %add3A_602 = arith.constant 48 : i32
      %add3A_603 = arith.addi %mul3A_601, %add3A_602 : i32
      %add3A_604 = arith.constant 5 : i32
      %add3A_605 = arith.addi %add3A_603, %add3A_604 : i32
      %add3A_606 = vector.broadcast %add3A_605 : i32 to vector<16xi32>
      %add3A_607 = arith.addi %mul3A_6, %add3A_606 : vector<16xi32>
      tpu.vector_store_idx %arg7[%add3A_607], %scan3A_558#5 : memref<2048xf32, #tpu.memory_space<vmem>>[vector<16xi32>], vector<16xf32>,
      %mul3A_608 = arith.constant 1024 : i32
      %mul3A_609 = arith.muli %scan3A_24, %mul3A_608 : i32
      %add3A_610 = arith.constant 48 : i32
      %add3A_611 = arith.addi %mul3A_609, %add3A_610 : i32
      %add3A_612 = arith.constant 6 : i32
      %add3A_613 = arith.addi %add3A_611, %add3A_612 : i32
      %add3A_614 = vector.broadcast %add3A_613 : i32 to vector<16xi32>
      %add3A_615 = arith.addi %mul3A_6, %add3A_614 : vector<16xi32>
      tpu.vector_store_idx %arg7[%add3A_615], %scan3A_558#6 : memref<2048xf32, #tpu.memory_space<vmem>>[vector<16xi32>], vector<16xf32>,
      %mul3A_616 = arith.constant 1024 : i32
      %mul3A_617 = arith.muli %scan3A_24, %mul3A_616 : i32
      %add3A_618 = arith.constant 48 : i32
      %add3A_619 = arith.addi %mul3A_617, %add3A_618 : i32
      %add3A_620 = arith.constant 7 : i32
      %add3A_621 = arith.addi %add3A_619, %add3A_620 : i32
      %add3A_622 = vector.broadcast %add3A_621 : i32 to vector<16xi32>
      %add3A_623 = arith.addi %mul3A_6, %add3A_622 : vector<16xi32>
      tpu.vector_store_idx %arg7[%add3A_623], %scan3A_558#7 : memref<2048xf32, #tpu.memory_space<vmem>>[vector<16xi32>], vector<16xf32>,
      %mul3A_624 = arith.constant 1024 : i32
      %mul3A_625 = arith.muli %scan3A_24, %mul3A_624 : i32
      %add3A_626 = arith.constant 48 : i32
      %add3A_627 = arith.addi %mul3A_625, %add3A_626 : i32
      %add3A_628 = arith.constant 8 : i32
      %add3A_629 = arith.addi %add3A_627, %add3A_628 : i32
      %add3A_630 = vector.broadcast %add3A_629 : i32 to vector<16xi32>
      %add3A_631 = arith.addi %mul3A_6, %add3A_630 : vector<16xi32>
      tpu.vector_store_idx %arg7[%add3A_631], %scan3A_558#8 : memref<2048xf32, #tpu.memory_space<vmem>>[vector<16xi32>], vector<16xf32>,
      %mul3A_632 = arith.constant 1024 : i32
      %mul3A_633 = arith.muli %scan3A_24, %mul3A_632 : i32
      %add3A_634 = arith.constant 48 : i32
      %add3A_635 = arith.addi %mul3A_633, %add3A_634 : i32
      %add3A_636 = arith.constant 9 : i32
      %add3A_637 = arith.addi %add3A_635, %add3A_636 : i32
      %add3A_638 = vector.broadcast %add3A_637 : i32 to vector<16xi32>
      %add3A_639 = arith.addi %mul3A_6, %add3A_638 : vector<16xi32>
      tpu.vector_store_idx %arg7[%add3A_639], %scan3A_558#9 : memref<2048xf32, #tpu.memory_space<vmem>>[vector<16xi32>], vector<16xf32>,
      %mul3A_640 = arith.constant 1024 : i32
      %mul3A_641 = arith.muli %scan3A_24, %mul3A_640 : i32
      %add3A_642 = arith.constant 48 : i32
      %add3A_643 = arith.addi %mul3A_641, %add3A_642 : i32
      %add3A_644 = arith.constant 10 : i32
      %add3A_645 = arith.addi %add3A_643, %add3A_644 : i32
      %add3A_646 = vector.broadcast %add3A_645 : i32 to vector<16xi32>
      %add3A_647 = arith.addi %mul3A_6, %add3A_646 : vector<16xi32>
      tpu.vector_store_idx %arg7[%add3A_647], %scan3A_558#10 : memref<2048xf32, #tpu.memory_space<vmem>>[vector<16xi32>], vector<16xf32>,
      %mul3A_648 = arith.constant 1024 : i32
      %mul3A_649 = arith.muli %scan3A_24, %mul3A_648 : i32
      %add3A_650 = arith.constant 48 : i32
      %add3A_651 = arith.addi %mul3A_649, %add3A_650 : i32
      %add3A_652 = arith.constant 11 : i32
      %add3A_653 = arith.addi %add3A_651, %add3A_652 : i32
      %add3A_654 = vector.broadcast %add3A_653 : i32 to vector<16xi32>
      %add3A_655 = arith.addi %mul3A_6, %add3A_654 : vector<16xi32>
      tpu.vector_store_idx %arg7[%add3A_655], %scan3A_558#11 : memref<2048xf32, #tpu.memory_space<vmem>>[vector<16xi32>], vector<16xf32>,
      %mul3A_656 = arith.constant 1024 : i32
      %mul3A_657 = arith.muli %scan3A_24, %mul3A_656 : i32
      %add3A_658 = arith.constant 48 : i32
      %add3A_659 = arith.addi %mul3A_657, %add3A_658 : i32
      %add3A_660 = arith.constant 12 : i32
      %add3A_661 = arith.addi %add3A_659, %add3A_660 : i32
      %add3A_662 = vector.broadcast %add3A_661 : i32 to vector<16xi32>
      %add3A_663 = arith.addi %mul3A_6, %add3A_662 : vector<16xi32>
      tpu.vector_store_idx %arg7[%add3A_663], %scan3A_558#12 : memref<2048xf32, #tpu.memory_space<vmem>>[vector<16xi32>], vector<16xf32>,
      %mul3A_664 = arith.constant 1024 : i32
      %mul3A_665 = arith.muli %scan3A_24, %mul3A_664 : i32
      %add3A_666 = arith.constant 48 : i32
      %add3A_667 = arith.addi %mul3A_665, %add3A_666 : i32
      %add3A_668 = arith.constant 13 : i32
      %add3A_669 = arith.addi %add3A_667, %add3A_668 : i32
      %add3A_670 = vector.broadcast %add3A_669 : i32 to vector<16xi32>
      %add3A_671 = arith.addi %mul3A_6, %add3A_670 : vector<16xi32>
      tpu.vector_store_idx %arg7[%add3A_671], %scan3A_558#13 : memref<2048xf32, #tpu.memory_space<vmem>>[vector<16xi32>], vector<16xf32>,
      %mul3A_672 = arith.constant 1024 : i32
      %mul3A_673 = arith.muli %scan3A_24, %mul3A_672 : i32
      %add3A_674 = arith.constant 48 : i32
      %add3A_675 = arith.addi %mul3A_673, %add3A_674 : i32
      %add3A_676 = arith.constant 14 : i32
      %add3A_677 = arith.addi %add3A_675, %add3A_676 : i32
      %add3A_678 = vector.broadcast %add3A_677 : i32 to vector<16xi32>
      %add3A_679 = arith.addi %mul3A_6, %add3A_678 : vector<16xi32>
      tpu.vector_store_idx %arg7[%add3A_679], %scan3A_558#14 : memref<2048xf32, #tpu.memory_space<vmem>>[vector<16xi32>], vector<16xf32>,
      %mul3A_680 = arith.constant 1024 : i32
      %mul3A_681 = arith.muli %scan3A_24, %mul3A_680 : i32
      %add3A_682 = arith.constant 48 : i32
      %add3A_683 = arith.addi %mul3A_681, %add3A_682 : i32
      %add3A_684 = arith.constant 15 : i32
      %add3A_685 = arith.addi %add3A_683, %add3A_684 : i32
      %add3A_686 = vector.broadcast %add3A_685 : i32 to vector<16xi32>
      %add3A_687 = arith.addi %mul3A_6, %add3A_686 : vector<16xi32>
      tpu.vector_store_idx %arg7[%add3A_687], %scan3A_558#15 : memref<2048xf32, #tpu.memory_space<vmem>>[vector<16xi32>], vector<16xf32>,
    }
    %scan3A_20 = arith.constant 2 : i32
    %mul3A_21 = arith.constant 64 : i32
    %mul3A_22 = arith.muli %add3A_12, %mul3A_21 : i32
    "tpu.region"() ({
      %run_scoped3A = tpu.sem_alloc : memref<!tpu.dma_semaphore, #tpu.memory_space<semaphore_mem>>
      %dma_start3A = tpu.memref_slice %arg4[%mul3A_22] : memref<65536xf32, #tpu.memory_space<hbm>> -> memref<2048xf32, #tpu.memory_space<hbm>>
      %dma_start3A_24 = tpu.memref_slice %arg4[%mul3A_22] : memref<65536xf32, #tpu.memory_space<hbm>> -> memref<2048xf32, #tpu.memory_space<hbm>>
      tpu.enqueue_dma source(%arg7 : memref<2048xf32, #tpu.memory_space<vmem>>) target(%dma_start3A_24 : memref<2048xf32, #tpu.memory_space<hbm>>) target_semaphore(%run_scoped3A : memref<!tpu.dma_semaphore, #tpu.memory_space<semaphore_mem>>)
      %dma_wait3A = tpu.memref_slice %arg4[%mul3A_22] : memref<65536xf32, #tpu.memory_space<hbm>> -> memref<2048xf32, #tpu.memory_space<hbm>>
      %dma_wait3A_25 = tpu.memref_slice %arg4[%mul3A_22] : memref<65536xf32, #tpu.memory_space<hbm>> -> memref<2048xf32, #tpu.memory_space<hbm>>
      tpu.wait_dma2 semaphore(%run_scoped3A : memref<!tpu.dma_semaphore, #tpu.memory_space<semaphore_mem>>) src(%arg7 : memref<2048xf32, #tpu.memory_space<vmem>>) dst(%dma_wait3A_25 : memref<2048xf32, #tpu.memory_space<hbm>>)
      tpu.yield
    }) : () -> ()
    %scan3A_23 = arith.constant 1 : i32
    return
  }
}

module attributes {stable_mosaic.version = 14 : i64} {
  func.func @_prep_kernel(%arg0: i32, %arg1: memref<100x4096xf32, #tpu.memory_space<vmem>>, %arg2: memref<10x128x16xf32, #tpu.memory_space<vmem>>, %arg3: memref<16x128x64xf32, #tpu.memory_space<vmem>>, %arg4: memref<100x1024xi32, #tpu.memory_space<vmem>>, %arg5: memref<10x128x64xf32, #tpu.memory_space<vmem>>, %arg6: memref<100x1xf32, #tpu.memory_space<vmem>>, %arg7: memref<100x1xf32, #tpu.memory_space<vmem>>) attributes {dimension_semantics = [#tpu.dimension_semantics<arbitrary>], iteration_bounds = array<i64: 5>, scalar_prefetch = 0 : i64, scratch_operands = 1 : i64, tpu.core_type = #tpu.core_type<tc>, window_params = [{transform_indices = @transform_0, window_bounds = array<i64: 100, 4096>}, {pipeline_mode = #tpu.pipeline_mode<synchronous>, transform_indices = @transform_1, window_bounds = array<i64: 10, 128, 16>}, {pipeline_mode = #tpu.pipeline_mode<synchronous>, transform_indices = @transform_2, window_bounds = array<i64: 16, 128, 64>}, {pipeline_mode = #tpu.pipeline_mode<synchronous>, transform_indices = @transform_3, window_bounds = array<i64: 100, 1024>}, {pipeline_mode = #tpu.pipeline_mode<synchronous>, transform_indices = @transform_4, window_bounds = array<i64: 10, 128, 64>}, {pipeline_mode = #tpu.pipeline_mode<synchronous>, transform_indices = @transform_5, window_bounds = array<i64: 100, 1>}]} {
    %lt3A = arith.constant 4 : i32
    %lt3A_0 = arith.cmpi slt, %arg0, %lt3A : i32
    %convert_element_type3A = arith.extui %lt3A_0 : i1 to i32
    %cond3A = arith.constant 0 : i32
    %cond3A_1 = arith.cmpi ne, %convert_element_type3A, %cond3A : i32
    scf.if %cond3A_1 {
      %get3A = arith.constant 0 : index
      %get3A_6 = arith.constant 0 : index
      %get3A_7 = vector.load %arg1[%get3A, %get3A_6] : memref<100x4096xf32, #tpu.memory_space<vmem>>, vector<100x4096xf32>
      %abs3A = math.absf %get3A_7 : vector<100x4096xf32>
      %reduce_max3A = arith.constant dense<0xFF800000> : vector<100xf32>
      %reduce_max3A_8 = vector.multi_reduction <maximumf>, %abs3A, %reduce_max3A [1] : vector<100x4096xf32> to vector<100xf32>
      %broadcast_in_dim3A = vector.shape_cast %reduce_max3A_8 : vector<100xf32> to vector<100x1xf32>
      %eq3A_9 = arith.constant 0 : i32
      %eq3A_10 = arith.cmpi eq, %arg0, %eq3A_9 : i32
      %convert_element_type3A_11 = arith.extui %eq3A_10 : i1 to i32
      %cond3A_12 = arith.constant 0 : i32
      %cond3A_13 = arith.cmpi ne, %convert_element_type3A_11, %cond3A_12 : i32
      scf.if %cond3A_13 {
        %swap3A = arith.constant 0 : index
        %swap3A_18 = arith.constant 0 : index
        %swap3A_19 = vector.load %arg7[%swap3A, %swap3A_18] : memref<100x1xf32, #tpu.memory_space<vmem>>, vector<100x1xf32>
        tpu.vector_store %arg7[%swap3A, %swap3A_18], %broadcast_in_dim3A {strides = array<i32>} : memref<100x1xf32, #tpu.memory_space<vmem>>, vector<100x1xf32>,
      } else {
      }
      %gt3A = arith.constant 0 : i32
      %gt3A_14 = arith.cmpi sgt, %arg0, %gt3A : i32
      %convert_element_type3A_15 = arith.extui %gt3A_14 : i1 to i32
      %cond3A_16 = arith.constant 0 : i32
      %cond3A_17 = arith.cmpi ne, %convert_element_type3A_15, %cond3A_16 : i32
      scf.if %cond3A_17 {
        %get3A_18 = arith.constant 0 : index
        %get3A_19 = arith.constant 0 : index
        %get3A_20 = vector.load %arg7[%get3A_18, %get3A_19] : memref<100x1xf32, #tpu.memory_space<vmem>>, vector<100x1xf32>
        %max3A = arith.maximumf %get3A_20, %broadcast_in_dim3A : vector<100x1xf32>
        %swap3A = arith.constant 0 : index
        %swap3A_21 = arith.constant 0 : index
        %swap3A_22 = vector.load %arg7[%swap3A, %swap3A_21] : memref<100x1xf32, #tpu.memory_space<vmem>>, vector<100x1xf32>
        tpu.vector_store %arg7[%swap3A, %swap3A_21], %max3A {strides = array<i32>} : memref<100x1xf32, #tpu.memory_space<vmem>>, vector<100x1xf32>,
      } else {
      }
    } else {
    }
    %eq3A = arith.constant 4 : i32
    %eq3A_2 = arith.cmpi eq, %arg0, %eq3A : i32
    %convert_element_type3A_3 = arith.extui %eq3A_2 : i1 to i32
    %cond3A_4 = arith.constant 0 : i32
    %cond3A_5 = arith.cmpi ne, %convert_element_type3A_3, %cond3A_4 : i32
    scf.if %cond3A_5 {
      %get3A = arith.constant 0 : index
      %get3A_6 = arith.constant 0 : index
      %get3A_7 = arith.constant 0 : index
      %get3A_8 = vector.load %arg2[%get3A, %get3A_6, %get3A_7] : memref<10x128x16xf32, #tpu.memory_space<vmem>>, vector<10x128x1xf32>
      %get3A_9 = arith.constant 0 : index
      %get3A_10 = arith.constant 0 : index
      %get3A_11 = arith.constant 0 : index
      %get3A_12 = vector.load %arg3[%get3A_9, %get3A_10, %get3A_11] : memref<16x128x64xf32, #tpu.memory_space<vmem>>, vector<1x128x64xf32>
      %get3A_13 = vector.shape_cast %get3A_12 : vector<1x128x64xf32> to vector<128x64xf32>
      %broadcast_in_dim3A = vector.shape_cast %get3A_13 : vector<128x64xf32> to vector<1x128x64xf32>
      %mul3A = vector.broadcast %get3A_8 : vector<10x128x1xf32> to vector<10x128x64xf32>
      %mul3A_14 = vector.broadcast %broadcast_in_dim3A : vector<1x128x64xf32> to vector<10x128x64xf32>
      %mul3A_15 = arith.mulf %mul3A, %mul3A_14 : vector<10x128x64xf32>
      %get3A_16 = arith.constant 0 : index
      %get3A_17 = arith.constant 0 : index
      %get3A_18 = arith.constant 1 : index
      %get3A_19 = vector.load %arg2[%get3A_16, %get3A_17, %get3A_18] : memref<10x128x16xf32, #tpu.memory_space<vmem>>, vector<10x128x1xf32>
      %get3A_20 = arith.constant 1 : index
      %get3A_21 = arith.constant 0 : index
      %get3A_22 = arith.constant 0 : index
      %get3A_23 = vector.load %arg3[%get3A_20, %get3A_21, %get3A_22] : memref<16x128x64xf32, #tpu.memory_space<vmem>>, vector<1x128x64xf32>
      %get3A_24 = vector.shape_cast %get3A_23 : vector<1x128x64xf32> to vector<128x64xf32>
      %broadcast_in_dim3A_25 = vector.shape_cast %get3A_24 : vector<128x64xf32> to vector<1x128x64xf32>
      %mul3A_26 = vector.broadcast %get3A_19 : vector<10x128x1xf32> to vector<10x128x64xf32>
      %mul3A_27 = vector.broadcast %broadcast_in_dim3A_25 : vector<1x128x64xf32> to vector<10x128x64xf32>
      %mul3A_28 = arith.mulf %mul3A_26, %mul3A_27 : vector<10x128x64xf32>
      %add3A = arith.addf %mul3A_15, %mul3A_28 : vector<10x128x64xf32>
      %get3A_29 = arith.constant 0 : index
      %get3A_30 = arith.constant 0 : index
      %get3A_31 = arith.constant 2 : index
      %get3A_32 = vector.load %arg2[%get3A_29, %get3A_30, %get3A_31] : memref<10x128x16xf32, #tpu.memory_space<vmem>>, vector<10x128x1xf32>
      %get3A_33 = arith.constant 2 : index
      %get3A_34 = arith.constant 0 : index
      %get3A_35 = arith.constant 0 : index
      %get3A_36 = vector.load %arg3[%get3A_33, %get3A_34, %get3A_35] : memref<16x128x64xf32, #tpu.memory_space<vmem>>, vector<1x128x64xf32>
      %get3A_37 = vector.shape_cast %get3A_36 : vector<1x128x64xf32> to vector<128x64xf32>
      %broadcast_in_dim3A_38 = vector.shape_cast %get3A_37 : vector<128x64xf32> to vector<1x128x64xf32>
      %mul3A_39 = vector.broadcast %get3A_32 : vector<10x128x1xf32> to vector<10x128x64xf32>
      %mul3A_40 = vector.broadcast %broadcast_in_dim3A_38 : vector<1x128x64xf32> to vector<10x128x64xf32>
      %mul3A_41 = arith.mulf %mul3A_39, %mul3A_40 : vector<10x128x64xf32>
      %add3A_42 = arith.addf %add3A, %mul3A_41 : vector<10x128x64xf32>
      %get3A_43 = arith.constant 0 : index
      %get3A_44 = arith.constant 0 : index
      %get3A_45 = arith.constant 3 : index
      %get3A_46 = vector.load %arg2[%get3A_43, %get3A_44, %get3A_45] : memref<10x128x16xf32, #tpu.memory_space<vmem>>, vector<10x128x1xf32>
      %get3A_47 = arith.constant 3 : index
      %get3A_48 = arith.constant 0 : index
      %get3A_49 = arith.constant 0 : index
      %get3A_50 = vector.load %arg3[%get3A_47, %get3A_48, %get3A_49] : memref<16x128x64xf32, #tpu.memory_space<vmem>>, vector<1x128x64xf32>
      %get3A_51 = vector.shape_cast %get3A_50 : vector<1x128x64xf32> to vector<128x64xf32>
      %broadcast_in_dim3A_52 = vector.shape_cast %get3A_51 : vector<128x64xf32> to vector<1x128x64xf32>
      %mul3A_53 = vector.broadcast %get3A_46 : vector<10x128x1xf32> to vector<10x128x64xf32>
      %mul3A_54 = vector.broadcast %broadcast_in_dim3A_52 : vector<1x128x64xf32> to vector<10x128x64xf32>
      %mul3A_55 = arith.mulf %mul3A_53, %mul3A_54 : vector<10x128x64xf32>
      %add3A_56 = arith.addf %add3A_42, %mul3A_55 : vector<10x128x64xf32>
      %get3A_57 = arith.constant 0 : index
      %get3A_58 = arith.constant 0 : index
      %get3A_59 = arith.constant 4 : index
      %get3A_60 = vector.load %arg2[%get3A_57, %get3A_58, %get3A_59] : memref<10x128x16xf32, #tpu.memory_space<vmem>>, vector<10x128x1xf32>
      %get3A_61 = arith.constant 4 : index
      %get3A_62 = arith.constant 0 : index
      %get3A_63 = arith.constant 0 : index
      %get3A_64 = vector.load %arg3[%get3A_61, %get3A_62, %get3A_63] : memref<16x128x64xf32, #tpu.memory_space<vmem>>, vector<1x128x64xf32>
      %get3A_65 = vector.shape_cast %get3A_64 : vector<1x128x64xf32> to vector<128x64xf32>
      %broadcast_in_dim3A_66 = vector.shape_cast %get3A_65 : vector<128x64xf32> to vector<1x128x64xf32>
      %mul3A_67 = vector.broadcast %get3A_60 : vector<10x128x1xf32> to vector<10x128x64xf32>
      %mul3A_68 = vector.broadcast %broadcast_in_dim3A_66 : vector<1x128x64xf32> to vector<10x128x64xf32>
      %mul3A_69 = arith.mulf %mul3A_67, %mul3A_68 : vector<10x128x64xf32>
      %add3A_70 = arith.addf %add3A_56, %mul3A_69 : vector<10x128x64xf32>
      %get3A_71 = arith.constant 0 : index
      %get3A_72 = arith.constant 0 : index
      %get3A_73 = arith.constant 5 : index
      %get3A_74 = vector.load %arg2[%get3A_71, %get3A_72, %get3A_73] : memref<10x128x16xf32, #tpu.memory_space<vmem>>, vector<10x128x1xf32>
      %get3A_75 = arith.constant 5 : index
      %get3A_76 = arith.constant 0 : index
      %get3A_77 = arith.constant 0 : index
      %get3A_78 = vector.load %arg3[%get3A_75, %get3A_76, %get3A_77] : memref<16x128x64xf32, #tpu.memory_space<vmem>>, vector<1x128x64xf32>
      %get3A_79 = vector.shape_cast %get3A_78 : vector<1x128x64xf32> to vector<128x64xf32>
      %broadcast_in_dim3A_80 = vector.shape_cast %get3A_79 : vector<128x64xf32> to vector<1x128x64xf32>
      %mul3A_81 = vector.broadcast %get3A_74 : vector<10x128x1xf32> to vector<10x128x64xf32>
      %mul3A_82 = vector.broadcast %broadcast_in_dim3A_80 : vector<1x128x64xf32> to vector<10x128x64xf32>
      %mul3A_83 = arith.mulf %mul3A_81, %mul3A_82 : vector<10x128x64xf32>
      %add3A_84 = arith.addf %add3A_70, %mul3A_83 : vector<10x128x64xf32>
      %get3A_85 = arith.constant 0 : index
      %get3A_86 = arith.constant 0 : index
      %get3A_87 = arith.constant 6 : index
      %get3A_88 = vector.load %arg2[%get3A_85, %get3A_86, %get3A_87] : memref<10x128x16xf32, #tpu.memory_space<vmem>>, vector<10x128x1xf32>
      %get3A_89 = arith.constant 6 : index
      %get3A_90 = arith.constant 0 : index
      %get3A_91 = arith.constant 0 : index
      %get3A_92 = vector.load %arg3[%get3A_89, %get3A_90, %get3A_91] : memref<16x128x64xf32, #tpu.memory_space<vmem>>, vector<1x128x64xf32>
      %get3A_93 = vector.shape_cast %get3A_92 : vector<1x128x64xf32> to vector<128x64xf32>
      %broadcast_in_dim3A_94 = vector.shape_cast %get3A_93 : vector<128x64xf32> to vector<1x128x64xf32>
      %mul3A_95 = vector.broadcast %get3A_88 : vector<10x128x1xf32> to vector<10x128x64xf32>
      %mul3A_96 = vector.broadcast %broadcast_in_dim3A_94 : vector<1x128x64xf32> to vector<10x128x64xf32>
      %mul3A_97 = arith.mulf %mul3A_95, %mul3A_96 : vector<10x128x64xf32>
      %add3A_98 = arith.addf %add3A_84, %mul3A_97 : vector<10x128x64xf32>
      %get3A_99 = arith.constant 0 : index
      %get3A_100 = arith.constant 0 : index
      %get3A_101 = arith.constant 7 : index
      %get3A_102 = vector.load %arg2[%get3A_99, %get3A_100, %get3A_101] : memref<10x128x16xf32, #tpu.memory_space<vmem>>, vector<10x128x1xf32>
      %get3A_103 = arith.constant 7 : index
      %get3A_104 = arith.constant 0 : index
      %get3A_105 = arith.constant 0 : index
      %get3A_106 = vector.load %arg3[%get3A_103, %get3A_104, %get3A_105] : memref<16x128x64xf32, #tpu.memory_space<vmem>>, vector<1x128x64xf32>
      %get3A_107 = vector.shape_cast %get3A_106 : vector<1x128x64xf32> to vector<128x64xf32>
      %broadcast_in_dim3A_108 = vector.shape_cast %get3A_107 : vector<128x64xf32> to vector<1x128x64xf32>
      %mul3A_109 = vector.broadcast %get3A_102 : vector<10x128x1xf32> to vector<10x128x64xf32>
      %mul3A_110 = vector.broadcast %broadcast_in_dim3A_108 : vector<1x128x64xf32> to vector<10x128x64xf32>
      %mul3A_111 = arith.mulf %mul3A_109, %mul3A_110 : vector<10x128x64xf32>
      %add3A_112 = arith.addf %add3A_98, %mul3A_111 : vector<10x128x64xf32>
      %get3A_113 = arith.constant 0 : index
      %get3A_114 = arith.constant 0 : index
      %get3A_115 = arith.constant 8 : index
      %get3A_116 = vector.load %arg2[%get3A_113, %get3A_114, %get3A_115] : memref<10x128x16xf32, #tpu.memory_space<vmem>>, vector<10x128x1xf32>
      %get3A_117 = arith.constant 8 : index
      %get3A_118 = arith.constant 0 : index
      %get3A_119 = arith.constant 0 : index
      %get3A_120 = vector.load %arg3[%get3A_117, %get3A_118, %get3A_119] : memref<16x128x64xf32, #tpu.memory_space<vmem>>, vector<1x128x64xf32>
      %get3A_121 = vector.shape_cast %get3A_120 : vector<1x128x64xf32> to vector<128x64xf32>
      %broadcast_in_dim3A_122 = vector.shape_cast %get3A_121 : vector<128x64xf32> to vector<1x128x64xf32>
      %mul3A_123 = vector.broadcast %get3A_116 : vector<10x128x1xf32> to vector<10x128x64xf32>
      %mul3A_124 = vector.broadcast %broadcast_in_dim3A_122 : vector<1x128x64xf32> to vector<10x128x64xf32>
      %mul3A_125 = arith.mulf %mul3A_123, %mul3A_124 : vector<10x128x64xf32>
      %add3A_126 = arith.addf %add3A_112, %mul3A_125 : vector<10x128x64xf32>
      %get3A_127 = arith.constant 0 : index
      %get3A_128 = arith.constant 0 : index
      %get3A_129 = arith.constant 9 : index
      %get3A_130 = vector.load %arg2[%get3A_127, %get3A_128, %get3A_129] : memref<10x128x16xf32, #tpu.memory_space<vmem>>, vector<10x128x1xf32>
      %get3A_131 = arith.constant 9 : index
      %get3A_132 = arith.constant 0 : index
      %get3A_133 = arith.constant 0 : index
      %get3A_134 = vector.load %arg3[%get3A_131, %get3A_132, %get3A_133] : memref<16x128x64xf32, #tpu.memory_space<vmem>>, vector<1x128x64xf32>
      %get3A_135 = vector.shape_cast %get3A_134 : vector<1x128x64xf32> to vector<128x64xf32>
      %broadcast_in_dim3A_136 = vector.shape_cast %get3A_135 : vector<128x64xf32> to vector<1x128x64xf32>
      %mul3A_137 = vector.broadcast %get3A_130 : vector<10x128x1xf32> to vector<10x128x64xf32>
      %mul3A_138 = vector.broadcast %broadcast_in_dim3A_136 : vector<1x128x64xf32> to vector<10x128x64xf32>
      %mul3A_139 = arith.mulf %mul3A_137, %mul3A_138 : vector<10x128x64xf32>
      %add3A_140 = arith.addf %add3A_126, %mul3A_139 : vector<10x128x64xf32>
      %get3A_141 = arith.constant 0 : index
      %get3A_142 = arith.constant 0 : index
      %get3A_143 = arith.constant 10 : index
      %get3A_144 = vector.load %arg2[%get3A_141, %get3A_142, %get3A_143] : memref<10x128x16xf32, #tpu.memory_space<vmem>>, vector<10x128x1xf32>
      %get3A_145 = arith.constant 10 : index
      %get3A_146 = arith.constant 0 : index
      %get3A_147 = arith.constant 0 : index
      %get3A_148 = vector.load %arg3[%get3A_145, %get3A_146, %get3A_147] : memref<16x128x64xf32, #tpu.memory_space<vmem>>, vector<1x128x64xf32>
      %get3A_149 = vector.shape_cast %get3A_148 : vector<1x128x64xf32> to vector<128x64xf32>
      %broadcast_in_dim3A_150 = vector.shape_cast %get3A_149 : vector<128x64xf32> to vector<1x128x64xf32>
      %mul3A_151 = vector.broadcast %get3A_144 : vector<10x128x1xf32> to vector<10x128x64xf32>
      %mul3A_152 = vector.broadcast %broadcast_in_dim3A_150 : vector<1x128x64xf32> to vector<10x128x64xf32>
      %mul3A_153 = arith.mulf %mul3A_151, %mul3A_152 : vector<10x128x64xf32>
      %add3A_154 = arith.addf %add3A_140, %mul3A_153 : vector<10x128x64xf32>
      %get3A_155 = arith.constant 0 : index
      %get3A_156 = arith.constant 0 : index
      %get3A_157 = arith.constant 11 : index
      %get3A_158 = vector.load %arg2[%get3A_155, %get3A_156, %get3A_157] : memref<10x128x16xf32, #tpu.memory_space<vmem>>, vector<10x128x1xf32>
      %get3A_159 = arith.constant 11 : index
      %get3A_160 = arith.constant 0 : index
      %get3A_161 = arith.constant 0 : index
      %get3A_162 = vector.load %arg3[%get3A_159, %get3A_160, %get3A_161] : memref<16x128x64xf32, #tpu.memory_space<vmem>>, vector<1x128x64xf32>
      %get3A_163 = vector.shape_cast %get3A_162 : vector<1x128x64xf32> to vector<128x64xf32>
      %broadcast_in_dim3A_164 = vector.shape_cast %get3A_163 : vector<128x64xf32> to vector<1x128x64xf32>
      %mul3A_165 = vector.broadcast %get3A_158 : vector<10x128x1xf32> to vector<10x128x64xf32>
      %mul3A_166 = vector.broadcast %broadcast_in_dim3A_164 : vector<1x128x64xf32> to vector<10x128x64xf32>
      %mul3A_167 = arith.mulf %mul3A_165, %mul3A_166 : vector<10x128x64xf32>
      %add3A_168 = arith.addf %add3A_154, %mul3A_167 : vector<10x128x64xf32>
      %get3A_169 = arith.constant 0 : index
      %get3A_170 = arith.constant 0 : index
      %get3A_171 = arith.constant 12 : index
      %get3A_172 = vector.load %arg2[%get3A_169, %get3A_170, %get3A_171] : memref<10x128x16xf32, #tpu.memory_space<vmem>>, vector<10x128x1xf32>
      %get3A_173 = arith.constant 12 : index
      %get3A_174 = arith.constant 0 : index
      %get3A_175 = arith.constant 0 : index
      %get3A_176 = vector.load %arg3[%get3A_173, %get3A_174, %get3A_175] : memref<16x128x64xf32, #tpu.memory_space<vmem>>, vector<1x128x64xf32>
      %get3A_177 = vector.shape_cast %get3A_176 : vector<1x128x64xf32> to vector<128x64xf32>
      %broadcast_in_dim3A_178 = vector.shape_cast %get3A_177 : vector<128x64xf32> to vector<1x128x64xf32>
      %mul3A_179 = vector.broadcast %get3A_172 : vector<10x128x1xf32> to vector<10x128x64xf32>
      %mul3A_180 = vector.broadcast %broadcast_in_dim3A_178 : vector<1x128x64xf32> to vector<10x128x64xf32>
      %mul3A_181 = arith.mulf %mul3A_179, %mul3A_180 : vector<10x128x64xf32>
      %add3A_182 = arith.addf %add3A_168, %mul3A_181 : vector<10x128x64xf32>
      %get3A_183 = arith.constant 0 : index
      %get3A_184 = arith.constant 0 : index
      %get3A_185 = arith.constant 13 : index
      %get3A_186 = vector.load %arg2[%get3A_183, %get3A_184, %get3A_185] : memref<10x128x16xf32, #tpu.memory_space<vmem>>, vector<10x128x1xf32>
      %get3A_187 = arith.constant 13 : index
      %get3A_188 = arith.constant 0 : index
      %get3A_189 = arith.constant 0 : index
      %get3A_190 = vector.load %arg3[%get3A_187, %get3A_188, %get3A_189] : memref<16x128x64xf32, #tpu.memory_space<vmem>>, vector<1x128x64xf32>
      %get3A_191 = vector.shape_cast %get3A_190 : vector<1x128x64xf32> to vector<128x64xf32>
      %broadcast_in_dim3A_192 = vector.shape_cast %get3A_191 : vector<128x64xf32> to vector<1x128x64xf32>
      %mul3A_193 = vector.broadcast %get3A_186 : vector<10x128x1xf32> to vector<10x128x64xf32>
      %mul3A_194 = vector.broadcast %broadcast_in_dim3A_192 : vector<1x128x64xf32> to vector<10x128x64xf32>
      %mul3A_195 = arith.mulf %mul3A_193, %mul3A_194 : vector<10x128x64xf32>
      %add3A_196 = arith.addf %add3A_182, %mul3A_195 : vector<10x128x64xf32>
      %get3A_197 = arith.constant 0 : index
      %get3A_198 = arith.constant 0 : index
      %get3A_199 = arith.constant 14 : index
      %get3A_200 = vector.load %arg2[%get3A_197, %get3A_198, %get3A_199] : memref<10x128x16xf32, #tpu.memory_space<vmem>>, vector<10x128x1xf32>
      %get3A_201 = arith.constant 14 : index
      %get3A_202 = arith.constant 0 : index
      %get3A_203 = arith.constant 0 : index
      %get3A_204 = vector.load %arg3[%get3A_201, %get3A_202, %get3A_203] : memref<16x128x64xf32, #tpu.memory_space<vmem>>, vector<1x128x64xf32>
      %get3A_205 = vector.shape_cast %get3A_204 : vector<1x128x64xf32> to vector<128x64xf32>
      %broadcast_in_dim3A_206 = vector.shape_cast %get3A_205 : vector<128x64xf32> to vector<1x128x64xf32>
      %mul3A_207 = vector.broadcast %get3A_200 : vector<10x128x1xf32> to vector<10x128x64xf32>
      %mul3A_208 = vector.broadcast %broadcast_in_dim3A_206 : vector<1x128x64xf32> to vector<10x128x64xf32>
      %mul3A_209 = arith.mulf %mul3A_207, %mul3A_208 : vector<10x128x64xf32>
      %add3A_210 = arith.addf %add3A_196, %mul3A_209 : vector<10x128x64xf32>
      %get3A_211 = arith.constant 0 : index
      %get3A_212 = arith.constant 0 : index
      %get3A_213 = arith.constant 15 : index
      %get3A_214 = vector.load %arg2[%get3A_211, %get3A_212, %get3A_213] : memref<10x128x16xf32, #tpu.memory_space<vmem>>, vector<10x128x1xf32>
      %get3A_215 = arith.constant 15 : index
      %get3A_216 = arith.constant 0 : index
      %get3A_217 = arith.constant 0 : index
      %get3A_218 = vector.load %arg3[%get3A_215, %get3A_216, %get3A_217] : memref<16x128x64xf32, #tpu.memory_space<vmem>>, vector<1x128x64xf32>
      %get3A_219 = vector.shape_cast %get3A_218 : vector<1x128x64xf32> to vector<128x64xf32>
      %broadcast_in_dim3A_220 = vector.shape_cast %get3A_219 : vector<128x64xf32> to vector<1x128x64xf32>
      %mul3A_221 = vector.broadcast %get3A_214 : vector<10x128x1xf32> to vector<10x128x64xf32>
      %mul3A_222 = vector.broadcast %broadcast_in_dim3A_220 : vector<1x128x64xf32> to vector<10x128x64xf32>
      %mul3A_223 = arith.mulf %mul3A_221, %mul3A_222 : vector<10x128x64xf32>
      %add3A_224 = arith.addf %add3A_210, %mul3A_223 : vector<10x128x64xf32>
      %swap3A = arith.constant 0 : index
      %swap3A_225 = arith.constant 0 : index
      %swap3A_226 = arith.constant 0 : index
      %swap3A_227 = vector.load %arg5[%swap3A, %swap3A_225, %swap3A_226] : memref<10x128x64xf32, #tpu.memory_space<vmem>>, vector<10x128x64xf32>
      tpu.vector_store %arg5[%swap3A, %swap3A_225, %swap3A_226], %add3A_224 {strides = array<i32>} : memref<10x128x64xf32, #tpu.memory_space<vmem>>, vector<10x128x64xf32>,
      %get3A_228 = arith.constant 0 : index
      %get3A_229 = arith.constant 0 : index
      %get3A_230 = vector.load %arg7[%get3A_228, %get3A_229] : memref<100x1xf32, #tpu.memory_space<vmem>>, vector<100x1xf32>
      %swap3A_231 = arith.constant 0 : index
      %swap3A_232 = arith.constant 0 : index
      %swap3A_233 = vector.load %arg6[%swap3A_231, %swap3A_232] : memref<100x1xf32, #tpu.memory_space<vmem>>, vector<100x1xf32>
      tpu.vector_store %arg6[%swap3A_231, %swap3A_232], %get3A_230 {strides = array<i32>} : memref<100x1xf32, #tpu.memory_space<vmem>>, vector<100x1xf32>,
      %get3A_234 = arith.constant 0 : index
      %get3A_235 = arith.constant 3072 : index
      %get3A_236 = vector.load %arg1[%get3A_234, %get3A_235] : memref<100x4096xf32, #tpu.memory_space<vmem>>, vector<100x1024xf32>
      %get3A_237 = arith.constant 0 : index
      %get3A_238 = arith.constant 0 : index
      %get3A_239 = vector.load %arg7[%get3A_237, %get3A_238] : memref<100x1xf32, #tpu.memory_space<vmem>>, vector<100x1xf32>
      %div3A = vector.broadcast %get3A_239 : vector<100x1xf32> to vector<100x1024xf32>
      %div3A_240 = arith.divf %get3A_236, %div3A : vector<100x1024xf32>
      %mul3A_241 = arith.constant 5.000000e+00 : f32
      %mul3A_242 = vector.broadcast %mul3A_241 : f32 to vector<100x1024xf32>
      %mul3A_243 = arith.mulf %div3A_240, %mul3A_242 : vector<100x1024xf32>
      %add3A_244 = arith.constant 5.000000e+00 : f32
      %add3A_245 = vector.broadcast %add3A_244 : f32 to vector<100x1024xf32>
      %add3A_246 = arith.addf %mul3A_243, %add3A_245 : vector<100x1024xf32>
      %jit3A = arith.constant 0.000000e+00 : f32
      %jit3A_247 = arith.constant 9 : i32
      %max3A = vector.broadcast %jit3A : f32 to vector<100x1024xf32>
      %max3A_248 = arith.maximumf %max3A, %add3A_246 : vector<100x1024xf32>
      %convert_element_type3A_249 = arith.sitofp %jit3A_247 : i32 to f32
      %min3A = vector.broadcast %convert_element_type3A_249 : f32 to vector<100x1024xf32>
      %min3A_250 = arith.minimumf %min3A, %max3A_248 : vector<100x1024xf32>
      %convert_element_type3A_251 = arith.fptosi %min3A_250 : vector<100x1024xf32> to vector<100x1024xi32>
      %iota3A = tpu.iota {dimensions = array<i32: 0>} : vector<100x1024xi32>
      %mul3A_252 = arith.constant 10 : i32
      %mul3A_253 = vector.broadcast %mul3A_252 : i32 to vector<100x1024xi32>
      %mul3A_254 = arith.muli %iota3A, %mul3A_253 : vector<100x1024xi32>
      %add3A_255 = arith.addi %mul3A_254, %convert_element_type3A_251 : vector<100x1024xi32>
      %mul3A_256 = arith.constant 65 : i32
      %mul3A_257 = vector.broadcast %mul3A_256 : i32 to vector<100x1024xi32>
      %mul3A_258 = arith.muli %add3A_255, %mul3A_257 : vector<100x1024xi32>
      %swap3A_259 = arith.constant 0 : index
      %swap3A_260 = arith.constant 0 : index
      %swap3A_261 = vector.load %arg4[%swap3A_259, %swap3A_260] : memref<100x1024xi32, #tpu.memory_space<vmem>>, vector<100x1024xi32>
      tpu.vector_store %arg4[%swap3A_259, %swap3A_260], %mul3A_258 {strides = array<i32>} : memref<100x1024xi32, #tpu.memory_space<vmem>>, vector<100x1024xi32>,
    } else {
    }
    return
  }
  func.func @transform_0(%arg0: i32) -> (i32, i32) {
    %min3A = arith.constant 3 : i32
    %min3A_0 = arith.minsi %arg0, %min3A : i32
    %c0_i32 = arith.constant 0 : i32
    %c0_i32_1 = arith.constant 0 : i32
    return %c0_i32, %min3A_0 : i32, i32
  }
  func.func @transform_1(%arg0: i32) -> (i32, i32, i32) {
    %c0_i32 = arith.constant 0 : i32
    %c0_i32_0 = arith.constant 0 : i32
    %c0_i32_1 = arith.constant 0 : i32
    %c0_i32_2 = arith.constant 0 : i32
    return %c0_i32, %c0_i32_0, %c0_i32_1 : i32, i32, i32
  }
  func.func @transform_2(%arg0: i32) -> (i32, i32, i32) {
    %c0_i32 = arith.constant 0 : i32
    %c0_i32_0 = arith.constant 0 : i32
    %c0_i32_1 = arith.constant 0 : i32
    %c0_i32_2 = arith.constant 0 : i32
    return %c0_i32, %c0_i32_0, %c0_i32_1 : i32, i32, i32
  }
  func.func @transform_3(%arg0: i32) -> (i32, i32) {
    %c0_i32 = arith.constant 0 : i32
    %c0_i32_0 = arith.constant 0 : i32
    %c0_i32_1 = arith.constant 0 : i32
    return %c0_i32, %c0_i32_0 : i32, i32
  }
  func.func @transform_4(%arg0: i32) -> (i32, i32, i32) {
    %c0_i32 = arith.constant 0 : i32
    %c0_i32_0 = arith.constant 0 : i32
    %c0_i32_1 = arith.constant 0 : i32
    %c0_i32_2 = arith.constant 0 : i32
    return %c0_i32, %c0_i32_0, %c0_i32_1 : i32, i32, i32
  }
  func.func @transform_5(%arg0: i32) -> (i32, i32) {
    %c0_i32 = arith.constant 0 : i32
    %c0_i32_0 = arith.constant 0 : i32
    %c0_i32_1 = arith.constant 0 : i32
    return %c0_i32, %c0_i32_0 : i32, i32
  }
}

module attributes {stable_mosaic.version = 14 : i64} {
  func.func @_main_kernel(%arg0: i32, %arg1: memref<100x3072xf32, #tpu.memory_space<vmem>>, %arg2: memref<100x1xf32, #tpu.memory_space<vmem>>, %arg3: memref<10x128x64xf32, #tpu.memory_space<vmem>>, %arg4: memref<64x1xf32, #tpu.memory_space<vmem>>, %arg5: memref<64x64xf32, #tpu.memory_space<vmem>>, %arg6: memref<64x1xf32, #tpu.memory_space<vmem>>, %arg7: memref<64x3072xf32, #tpu.memory_space<vmem>>, %arg8: memref<5x256x64xbf16, #tpu.memory_space<vmem>>) attributes {dimension_semantics = [#tpu.dimension_semantics<arbitrary>], iteration_bounds = array<i64: 5>, scalar_prefetch = 0 : i64, scratch_operands = 1 : i64, tpu.core_type = #tpu.core_type<tc>, window_params = [{transform_indices = @transform_0, window_bounds = array<i64: 100, 3072>}, {pipeline_mode = #tpu.pipeline_mode<synchronous>, transform_indices = @transform_1, window_bounds = array<i64: 100, 1>}, {pipeline_mode = #tpu.pipeline_mode<synchronous>, transform_indices = @transform_2, window_bounds = array<i64: 10, 128, 64>}, {pipeline_mode = #tpu.pipeline_mode<synchronous>, transform_indices = @transform_3, window_bounds = array<i64: 64, 1>}, {pipeline_mode = #tpu.pipeline_mode<synchronous>, transform_indices = @transform_4, window_bounds = array<i64: 64, 64>}, {pipeline_mode = #tpu.pipeline_mode<synchronous>, transform_indices = @transform_5, window_bounds = array<i64: 64, 1>}, {transform_indices = @transform_6, window_bounds = array<i64: 64, 3072>}]} {
    %eq3A = arith.constant 0 : i32
    %eq3A_0 = arith.cmpi eq, %arg0, %eq3A : i32
    %convert_element_type3A = arith.extui %eq3A_0 : i1 to i32
    %cond3A = arith.constant 0 : i32
    %cond3A_1 = arith.cmpi ne, %convert_element_type3A, %cond3A : i32
    scf.if %cond3A_1 {
      %get3A_123 = arith.constant 0 : index
      %get3A_124 = arith.constant 0 : index
      %get3A_125 = arith.constant 0 : index
      %get3A_126 = vector.load %arg3[%get3A_123, %get3A_124, %get3A_125] : memref<10x128x64xf32, #tpu.memory_space<vmem>>, vector<10x128x64xf32>
      %convert_element_type3A_127 = arith.truncf %get3A_126 : vector<10x128x64xf32> to vector<10x128x64xbf16>
      %reshape3A = vector.shape_cast %convert_element_type3A_127 : vector<10x128x64xbf16> to vector<5x256x64xbf16>
      %swap3A_128 = arith.constant 0 : index
      %swap3A_129 = arith.constant 0 : index
      %swap3A_130 = arith.constant 0 : index
      %swap3A_131 = vector.load %arg8[%swap3A_128, %swap3A_129, %swap3A_130] : memref<5x256x64xbf16, #tpu.memory_space<vmem>>, vector<5x256x64xbf16>
      tpu.vector_store %arg8[%swap3A_128, %swap3A_129, %swap3A_130], %reshape3A {strides = array<i32>} : memref<5x256x64xbf16, #tpu.memory_space<vmem>>, vector<5x256x64xbf16>,
    } else {
    }
    %get3A = arith.constant 0 : index
    %get3A_2 = arith.constant 0 : index
    %get3A_3 = vector.load %arg1[%get3A, %get3A_2] : memref<100x3072xf32, #tpu.memory_space<vmem>>, vector<100x3072xf32>
    %get3A_4 = arith.constant 0 : index
    %get3A_5 = arith.constant 0 : index
    %get3A_6 = vector.load %arg2[%get3A_4, %get3A_5] : memref<100x1xf32, #tpu.memory_space<vmem>>, vector<100x1xf32>
    %div3A = vector.broadcast %get3A_6 : vector<100x1xf32> to vector<100x3072xf32>
    %div3A_7 = arith.divf %get3A_3, %div3A : vector<100x3072xf32>
    %mul3A = arith.constant 5.000000e+00 : f32
    %mul3A_8 = vector.broadcast %mul3A : f32 to vector<100x3072xf32>
    %mul3A_9 = arith.mulf %div3A_7, %mul3A_8 : vector<100x3072xf32>
    %add3A = arith.constant 5.000000e+00 : f32
    %add3A_10 = vector.broadcast %add3A : f32 to vector<100x3072xf32>
    %add3A_11 = arith.addf %mul3A_9, %add3A_10 : vector<100x3072xf32>
    %jit3A = arith.constant 0.000000e+00 : f32
    %jit3A_12 = arith.constant 9 : i32
    %max3A = vector.broadcast %jit3A : f32 to vector<100x3072xf32>
    %max3A_13 = arith.maximumf %max3A, %add3A_11 : vector<100x3072xf32>
    %convert_element_type3A_14 = arith.sitofp %jit3A_12 : i32 to f32
    %min3A = vector.broadcast %convert_element_type3A_14 : f32 to vector<100x3072xf32>
    %min3A_15 = arith.minimumf %min3A, %max3A_13 : vector<100x3072xf32>
    %convert_element_type3A_16 = arith.fptosi %min3A_15 : vector<100x3072xf32> to vector<100x3072xi32>
    %broadcast_in_dim3A = arith.constant -1 : i32
    %broadcast_in_dim3A_17 = vector.broadcast %broadcast_in_dim3A : i32 to vector<28x3072xi32>
    %concatenate3A = tpu.concatenate %convert_element_type3A_16, %broadcast_in_dim3A_17 in 0 : vector<100x3072xi32>, vector<28x3072xi32> -> vector<128x3072xi32>
    %convert_element_type3A_18 = arith.sitofp %concatenate3A : vector<128x3072xi32> to vector<128x3072xbf16>
    %concatenate3A_19 = tpu.concatenate %convert_element_type3A_18, %convert_element_type3A_18 in 0 : vector<128x3072xbf16>, vector<128x3072xbf16> -> vector<256x3072xbf16>
    %iota3A = tpu.iota {dimensions = array<i32: 0>} : vector<256x1xi32>
    %ge3A = arith.constant 128 : i32
    %ge3A_20 = vector.broadcast %ge3A : i32 to vector<256x1xi32>
    %ge3A_21 = arith.cmpi sge, %iota3A, %ge3A_20 : vector<256x1xi32>
    %convert_element_type3A_22 = arith.extui %ge3A_21 : vector<256x1xi1> to vector<256x1xi32>
    %convert_element_type3A_23 = arith.sitofp %convert_element_type3A_22 : vector<256x1xi32> to vector<256x1xf32>
    %convert_element_type3A_24 = arith.truncf %convert_element_type3A_23 : vector<256x1xf32> to vector<256x1xbf16>
    %add3A_25 = arith.constant 0.000000e+00 : bf16
    %add3A_26 = vector.broadcast %add3A_25 : bf16 to vector<256x1xbf16>
    %add3A_27 = arith.addf %convert_element_type3A_24, %add3A_26 : vector<256x1xbf16>
    %eq3A_28 = vector.broadcast %add3A_27 : vector<256x1xbf16> to vector<256x3072xbf16>
    %eq3A_29 = arith.cmpf oeq, %concatenate3A_19, %eq3A_28 : vector<256x3072xbf16>
    %convert_element_type3A_30 = arith.extui %eq3A_29 : vector<256x3072xi1> to vector<256x3072xi32>
    %convert_element_type3A_31 = arith.sitofp %convert_element_type3A_30 : vector<256x3072xi32> to vector<256x3072xf32>
    %convert_element_type3A_32 = arith.truncf %convert_element_type3A_31 : vector<256x3072xf32> to vector<256x3072xbf16>
    %get3A_33 = arith.constant 0 : index
    %get3A_34 = arith.constant 0 : index
    %get3A_35 = arith.constant 0 : index
    %get3A_36 = vector.load %arg8[%get3A_33, %get3A_34, %get3A_35] : memref<5x256x64xbf16, #tpu.memory_space<vmem>>, vector<1x256x64xbf16>
    %get3A_37 = vector.shape_cast %get3A_36 : vector<1x256x64xbf16> to vector<256x64xbf16>
    %dot_general3A = arith.constant dense<0.000000e+00> : vector<64x3072xf32>
    %dot_general3A_38 = tpu.matmul %get3A_37, %convert_element_type3A_32, %dot_general3A {dimension_numbers = #tpu.dot_dimension_numbers<[0], [0], [1], [1], [0, 1, 1, 1], [], []>, transpose_lhs_hint = false} : vector<256x64xbf16>, vector<256x3072xbf16>, vector<64x3072xf32> -> vector<64x3072xf32>
    %add3A_39 = arith.constant 2.000000e+00 : bf16
    %add3A_40 = vector.broadcast %add3A_39 : bf16 to vector<256x1xbf16>
    %add3A_41 = arith.addf %convert_element_type3A_24, %add3A_40 : vector<256x1xbf16>
    %eq3A_42 = vector.broadcast %add3A_41 : vector<256x1xbf16> to vector<256x3072xbf16>
    %eq3A_43 = arith.cmpf oeq, %concatenate3A_19, %eq3A_42 : vector<256x3072xbf16>
    %convert_element_type3A_44 = arith.extui %eq3A_43 : vector<256x3072xi1> to vector<256x3072xi32>
    %convert_element_type3A_45 = arith.sitofp %convert_element_type3A_44 : vector<256x3072xi32> to vector<256x3072xf32>
    %convert_element_type3A_46 = arith.truncf %convert_element_type3A_45 : vector<256x3072xf32> to vector<256x3072xbf16>
    %get3A_47 = arith.constant 1 : index
    %get3A_48 = arith.constant 0 : index
    %get3A_49 = arith.constant 0 : index
    %get3A_50 = vector.load %arg8[%get3A_47, %get3A_48, %get3A_49] : memref<5x256x64xbf16, #tpu.memory_space<vmem>>, vector<1x256x64xbf16>
    %get3A_51 = vector.shape_cast %get3A_50 : vector<1x256x64xbf16> to vector<256x64xbf16>
    %dot_general3A_52 = arith.constant dense<0.000000e+00> : vector<64x3072xf32>
    %dot_general3A_53 = tpu.matmul %get3A_51, %convert_element_type3A_46, %dot_general3A_52 {dimension_numbers = #tpu.dot_dimension_numbers<[0], [0], [1], [1], [0, 1, 1, 1], [], []>, transpose_lhs_hint = false} : vector<256x64xbf16>, vector<256x3072xbf16>, vector<64x3072xf32> -> vector<64x3072xf32>
    %add3A_54 = arith.addf %dot_general3A_38, %dot_general3A_53 : vector<64x3072xf32>
    %add3A_55 = arith.constant 4.000000e+00 : bf16
    %add3A_56 = vector.broadcast %add3A_55 : bf16 to vector<256x1xbf16>
    %add3A_57 = arith.addf %convert_element_type3A_24, %add3A_56 : vector<256x1xbf16>
    %eq3A_58 = vector.broadcast %add3A_57 : vector<256x1xbf16> to vector<256x3072xbf16>
    %eq3A_59 = arith.cmpf oeq, %concatenate3A_19, %eq3A_58 : vector<256x3072xbf16>
    %convert_element_type3A_60 = arith.extui %eq3A_59 : vector<256x3072xi1> to vector<256x3072xi32>
    %convert_element_type3A_61 = arith.sitofp %convert_element_type3A_60 : vector<256x3072xi32> to vector<256x3072xf32>
    %convert_element_type3A_62 = arith.truncf %convert_element_type3A_61 : vector<256x3072xf32> to vector<256x3072xbf16>
    %get3A_63 = arith.constant 2 : index
    %get3A_64 = arith.constant 0 : index
    %get3A_65 = arith.constant 0 : index
    %get3A_66 = vector.load %arg8[%get3A_63, %get3A_64, %get3A_65] : memref<5x256x64xbf16, #tpu.memory_space<vmem>>, vector<1x256x64xbf16>
    %get3A_67 = vector.shape_cast %get3A_66 : vector<1x256x64xbf16> to vector<256x64xbf16>
    %dot_general3A_68 = arith.constant dense<0.000000e+00> : vector<64x3072xf32>
    %dot_general3A_69 = tpu.matmul %get3A_67, %convert_element_type3A_62, %dot_general3A_68 {dimension_numbers = #tpu.dot_dimension_numbers<[0], [0], [1], [1], [0, 1, 1, 1], [], []>, transpose_lhs_hint = false} : vector<256x64xbf16>, vector<256x3072xbf16>, vector<64x3072xf32> -> vector<64x3072xf32>
    %add3A_70 = arith.addf %add3A_54, %dot_general3A_69 : vector<64x3072xf32>
    %add3A_71 = arith.constant 6.000000e+00 : bf16
    %add3A_72 = vector.broadcast %add3A_71 : bf16 to vector<256x1xbf16>
    %add3A_73 = arith.addf %convert_element_type3A_24, %add3A_72 : vector<256x1xbf16>
    %eq3A_74 = vector.broadcast %add3A_73 : vector<256x1xbf16> to vector<256x3072xbf16>
    %eq3A_75 = arith.cmpf oeq, %concatenate3A_19, %eq3A_74 : vector<256x3072xbf16>
    %convert_element_type3A_76 = arith.extui %eq3A_75 : vector<256x3072xi1> to vector<256x3072xi32>
    %convert_element_type3A_77 = arith.sitofp %convert_element_type3A_76 : vector<256x3072xi32> to vector<256x3072xf32>
    %convert_element_type3A_78 = arith.truncf %convert_element_type3A_77 : vector<256x3072xf32> to vector<256x3072xbf16>
    %get3A_79 = arith.constant 3 : index
    %get3A_80 = arith.constant 0 : index
    %get3A_81 = arith.constant 0 : index
    %get3A_82 = vector.load %arg8[%get3A_79, %get3A_80, %get3A_81] : memref<5x256x64xbf16, #tpu.memory_space<vmem>>, vector<1x256x64xbf16>
    %get3A_83 = vector.shape_cast %get3A_82 : vector<1x256x64xbf16> to vector<256x64xbf16>
    %dot_general3A_84 = arith.constant dense<0.000000e+00> : vector<64x3072xf32>
    %dot_general3A_85 = tpu.matmul %get3A_83, %convert_element_type3A_78, %dot_general3A_84 {dimension_numbers = #tpu.dot_dimension_numbers<[0], [0], [1], [1], [0, 1, 1, 1], [], []>, transpose_lhs_hint = false} : vector<256x64xbf16>, vector<256x3072xbf16>, vector<64x3072xf32> -> vector<64x3072xf32>
    %add3A_86 = arith.addf %add3A_70, %dot_general3A_85 : vector<64x3072xf32>
    %add3A_87 = arith.constant 8.000000e+00 : bf16
    %add3A_88 = vector.broadcast %add3A_87 : bf16 to vector<256x1xbf16>
    %add3A_89 = arith.addf %convert_element_type3A_24, %add3A_88 : vector<256x1xbf16>
    %eq3A_90 = vector.broadcast %add3A_89 : vector<256x1xbf16> to vector<256x3072xbf16>
    %eq3A_91 = arith.cmpf oeq, %concatenate3A_19, %eq3A_90 : vector<256x3072xbf16>
    %convert_element_type3A_92 = arith.extui %eq3A_91 : vector<256x3072xi1> to vector<256x3072xi32>
    %convert_element_type3A_93 = arith.sitofp %convert_element_type3A_92 : vector<256x3072xi32> to vector<256x3072xf32>
    %convert_element_type3A_94 = arith.truncf %convert_element_type3A_93 : vector<256x3072xf32> to vector<256x3072xbf16>
    %get3A_95 = arith.constant 4 : index
    %get3A_96 = arith.constant 0 : index
    %get3A_97 = arith.constant 0 : index
    %get3A_98 = vector.load %arg8[%get3A_95, %get3A_96, %get3A_97] : memref<5x256x64xbf16, #tpu.memory_space<vmem>>, vector<1x256x64xbf16>
    %get3A_99 = vector.shape_cast %get3A_98 : vector<1x256x64xbf16> to vector<256x64xbf16>
    %dot_general3A_100 = arith.constant dense<0.000000e+00> : vector<64x3072xf32>
    %dot_general3A_101 = tpu.matmul %get3A_99, %convert_element_type3A_94, %dot_general3A_100 {dimension_numbers = #tpu.dot_dimension_numbers<[0], [0], [1], [1], [0, 1, 1, 1], [], []>, transpose_lhs_hint = false} : vector<256x64xbf16>, vector<256x3072xbf16>, vector<64x3072xf32> -> vector<64x3072xf32>
    %add3A_102 = arith.addf %add3A_86, %dot_general3A_101 : vector<64x3072xf32>
    %get3A_103 = arith.constant 0 : index
    %get3A_104 = arith.constant 0 : index
    %get3A_105 = vector.load %arg4[%get3A_103, %get3A_104] : memref<64x1xf32, #tpu.memory_space<vmem>>, vector<64x1xf32>
    %add3A_106 = vector.broadcast %get3A_105 : vector<64x1xf32> to vector<64x3072xf32>
    %add3A_107 = arith.addf %add3A_102, %add3A_106 : vector<64x3072xf32>
    %max3A_108 = arith.constant 0.000000e+00 : f32
    %max3A_109 = vector.broadcast %max3A_108 : f32 to vector<64x3072xf32>
    %max3A_110 = arith.maximumf %add3A_107, %max3A_109 : vector<64x3072xf32>
    %get3A_111 = arith.constant 0 : index
    %get3A_112 = arith.constant 0 : index
    %get3A_113 = vector.load %arg5[%get3A_111, %get3A_112] : memref<64x64xf32, #tpu.memory_space<vmem>>, vector<64x64xf32>
    %dot_general3A_114 = arith.constant dense<0.000000e+00> : vector<64x3072xf32>
    %dot_general3A_115 = tpu.matmul %get3A_113, %max3A_110, %dot_general3A_114 {dimension_numbers = #tpu.dot_dimension_numbers<[1], [0], [0], [1], [0, 0, 1, 1], [], []>, transpose_lhs_hint = false} : vector<64x64xf32>, vector<64x3072xf32>, vector<64x3072xf32> -> vector<64x3072xf32>
    %get3A_116 = arith.constant 0 : index
    %get3A_117 = arith.constant 0 : index
    %get3A_118 = vector.load %arg6[%get3A_116, %get3A_117] : memref<64x1xf32, #tpu.memory_space<vmem>>, vector<64x1xf32>
    %add3A_119 = vector.broadcast %get3A_118 : vector<64x1xf32> to vector<64x3072xf32>
    %add3A_120 = arith.addf %dot_general3A_115, %add3A_119 : vector<64x3072xf32>
    %swap3A = arith.constant 0 : index
    %swap3A_121 = arith.constant 0 : index
    %swap3A_122 = vector.load %arg7[%swap3A, %swap3A_121] : memref<64x3072xf32, #tpu.memory_space<vmem>>, vector<64x3072xf32>
    tpu.vector_store %arg7[%swap3A, %swap3A_121], %add3A_120 {strides = array<i32>} : memref<64x3072xf32, #tpu.memory_space<vmem>>, vector<64x3072xf32>,
    return
  }
  func.func @transform_0(%arg0: i32) -> (i32, i32) {
    %c0_i32 = arith.constant 0 : i32
    %c0_i32_0 = arith.constant 0 : i32
    return %c0_i32, %arg0 : i32, i32
  }
  func.func @transform_1(%arg0: i32) -> (i32, i32) {
    %c0_i32 = arith.constant 0 : i32
    %c0_i32_0 = arith.constant 0 : i32
    %c0_i32_1 = arith.constant 0 : i32
    return %c0_i32, %c0_i32_0 : i32, i32
  }
  func.func @transform_2(%arg0: i32) -> (i32, i32, i32) {
    %c0_i32 = arith.constant 0 : i32
    %c0_i32_0 = arith.constant 0 : i32
    %c0_i32_1 = arith.constant 0 : i32
    %c0_i32_2 = arith.constant 0 : i32
    return %c0_i32, %c0_i32_0, %c0_i32_1 : i32, i32, i32
  }
  func.func @transform_3(%arg0: i32) -> (i32, i32) {
    %c0_i32 = arith.constant 0 : i32
    %c0_i32_0 = arith.constant 0 : i32
    %c0_i32_1 = arith.constant 0 : i32
    return %c0_i32, %c0_i32_0 : i32, i32
  }
  func.func @transform_4(%arg0: i32) -> (i32, i32) {
    %c0_i32 = arith.constant 0 : i32
    %c0_i32_0 = arith.constant 0 : i32
    %c0_i32_1 = arith.constant 0 : i32
    return %c0_i32, %c0_i32_0 : i32, i32
  }
  func.func @transform_5(%arg0: i32) -> (i32, i32) {
    %c0_i32 = arith.constant 0 : i32
    %c0_i32_0 = arith.constant 0 : i32
    %c0_i32_1 = arith.constant 0 : i32
    return %c0_i32, %c0_i32_0 : i32, i32
  }
  func.func @transform_6(%arg0: i32) -> (i32, i32) {
    %c0_i32 = arith.constant 0 : i32
    %c0_i32_0 = arith.constant 0 : i32
    return %c0_i32, %arg0 : i32, i32
  }
}

module attributes {stable_mosaic.version = 14 : i64} {
  func.func @_tail_kernel(%arg0: i32, %arg1: memref<64x1024xf32, #tpu.memory_space<vmem>>, %arg2: memref<1024x64xf32, #tpu.memory_space<vmem>>, %arg3: memref<1x64xf32, #tpu.memory_space<vmem>>, %arg4: memref<64x64xf32, #tpu.memory_space<vmem>>, %arg5: memref<64x1xf32, #tpu.memory_space<vmem>>, %arg6: memref<64x1024xf32, #tpu.memory_space<vmem>>) attributes {dimension_semantics = [#tpu.dimension_semantics<arbitrary>], iteration_bounds = array<i64: 1>, scalar_prefetch = 0 : i64, scratch_operands = 0 : i64, tpu.core_type = #tpu.core_type<tc>, window_params = [{transform_indices = @transform_0, window_bounds = array<i64: 64, 1024>}, {pipeline_mode = #tpu.pipeline_mode<synchronous>, transform_indices = @transform_1, window_bounds = array<i64: 1024, 64>}, {pipeline_mode = #tpu.pipeline_mode<synchronous>, transform_indices = @transform_2, window_bounds = array<i64: 1, 64>}, {pipeline_mode = #tpu.pipeline_mode<synchronous>, transform_indices = @transform_3, window_bounds = array<i64: 64, 64>}, {pipeline_mode = #tpu.pipeline_mode<synchronous>, transform_indices = @transform_4, window_bounds = array<i64: 64, 1>}, {transform_indices = @transform_5, window_bounds = array<i64: 64, 1024>}]} {
    %get3A = arith.constant 0 : index
    %get3A_0 = arith.constant 0 : index
    %get3A_1 = vector.load %arg2[%get3A, %get3A_0] : memref<1024x64xf32, #tpu.memory_space<vmem>>, vector<1024x64xf32>
    %get3A_2 = arith.constant 0 : index
    %get3A_3 = arith.constant 0 : index
    %get3A_4 = vector.load %arg3[%get3A_2, %get3A_3] : memref<1x64xf32, #tpu.memory_space<vmem>>, vector<1x64xf32>
    %add3A = vector.broadcast %get3A_4 : vector<1x64xf32> to vector<1024x64xf32>
    %add3A_5 = arith.addf %get3A_1, %add3A : vector<1024x64xf32>
    %max3A = arith.constant 0.000000e+00 : f32
    %max3A_6 = vector.broadcast %max3A : f32 to vector<1024x64xf32>
    %max3A_7 = arith.maximumf %add3A_5, %max3A_6 : vector<1024x64xf32>
    %get3A_8 = arith.constant 0 : index
    %get3A_9 = arith.constant 0 : index
    %get3A_10 = vector.load %arg4[%get3A_8, %get3A_9] : memref<64x64xf32, #tpu.memory_space<vmem>>, vector<64x64xf32>
    %dot_general3A = arith.constant dense<0.000000e+00> : vector<64x1024xf32>
    %dot_general3A_11 = tpu.matmul %get3A_10, %max3A_7, %dot_general3A {dimension_numbers = #tpu.dot_dimension_numbers<[1], [1], [0], [0], [0, 0, 1, 0], [], []>, transpose_lhs_hint = false} : vector<64x64xf32>, vector<1024x64xf32>, vector<64x1024xf32> -> vector<64x1024xf32>
    %get3A_12 = arith.constant 0 : index
    %get3A_13 = arith.constant 0 : index
    %get3A_14 = vector.load %arg5[%get3A_12, %get3A_13] : memref<64x1xf32, #tpu.memory_space<vmem>>, vector<64x1xf32>
    %add3A_15 = vector.broadcast %get3A_14 : vector<64x1xf32> to vector<64x1024xf32>
    %add3A_16 = arith.addf %dot_general3A_11, %add3A_15 : vector<64x1024xf32>
    %swap3A = arith.constant 0 : index
    %swap3A_17 = arith.constant 0 : index
    %swap3A_18 = vector.load %arg6[%swap3A, %swap3A_17] : memref<64x1024xf32, #tpu.memory_space<vmem>>, vector<64x1024xf32>
    tpu.vector_store %arg6[%swap3A, %swap3A_17], %add3A_16 {strides = array<i32>} : memref<64x1024xf32, #tpu.memory_space<vmem>>, vector<64x1024xf32>,
    return
  }
  func.func @transform_0(%arg0: i32) -> (i32, i32) {
    %c0_i32 = arith.constant 0 : i32
    %c15_i32 = arith.constant 15 : i32
    %c0_i32_0 = arith.constant 0 : i32
    return %c0_i32, %c15_i32 : i32, i32
  }
  func.func @transform_1(%arg0: i32) -> (i32, i32) {
    %c0_i32 = arith.constant 0 : i32
    %c0_i32_0 = arith.constant 0 : i32
    %c0_i32_1 = arith.constant 0 : i32
    return %c0_i32, %c0_i32_0 : i32, i32
  }
  func.func @transform_2(%arg0: i32) -> (i32, i32) {
    %c0_i32 = arith.constant 0 : i32
    %c0_i32_0 = arith.constant 0 : i32
    %c0_i32_1 = arith.constant 0 : i32
    return %c0_i32, %c0_i32_0 : i32, i32
  }
  func.func @transform_3(%arg0: i32) -> (i32, i32) {
    %c0_i32 = arith.constant 0 : i32
    %c0_i32_0 = arith.constant 0 : i32
    %c0_i32_1 = arith.constant 0 : i32
    return %c0_i32, %c0_i32_0 : i32, i32
  }
  func.func @transform_4(%arg0: i32) -> (i32, i32) {
    %c0_i32 = arith.constant 0 : i32
    %c0_i32_0 = arith.constant 0 : i32
    %c0_i32_1 = arith.constant 0 : i32
    return %c0_i32, %c0_i32_0 : i32, i32
  }
  func.func @transform_5(%arg0: i32) -> (i32, i32) {
    %c0_i32 = arith.constant 0 : i32
    %c15_i32 = arith.constant 15 : i32
    %c0_i32_0 = arith.constant 0 : i32
    return %c0_i32, %c15_i32 : i32, i32
  }
}

</mosaic_0001>

<sc_bundles>
// kernel: kernel.6.cloned.1.call-start
scs
__scs_entry_jumppad:
0x0: {  	(pc) =	sbr.rel $0x88, $3  }
0x1: {  	(tag) =	ssettag $0x0;
	lr =	simm.s32 $0x1  }
0x2: {  	[smem:$0x3F9B] =	sst lr;
	_ =	strace $0xD0000000  }
0x3: {  	_ = 	snop  }
0x4: {  	_ = 	snop  }
0x5: {  	_ = 	snop  }
0x6: {  	_ = 	snop  }
0x7: {  	_ = 	snop  }
__scs_overlays_trampoline_lowered:
0x8: {  	[smem:$0x3FAA] =	sst s0  }
0x9: {  	[smem:$0x3FAB] =	sst s1  }
0xa: {  	[smem:$0x3FAC] =	sst s2  }
0xb: {  	[smem:$0x3FAD] =	sst s3  }
0xc: {  	[smem:$0x3FAE] =	sst s4  }
0xd: {  	[smem:$0x3FAF] =	sst s5  }
0xe: {  	[smem:$0x3FB0] =	sst s6  }
0xf: {  	[smem:$0x3FB1] =	sst s7  }
0x10: {  	[smem:$0x3FB2] =	sst s8  }
0x11: {  	[smem:$0x3FB3] =	sst s9;
	s0 =	simm.s32 @!p0 $0x0  }
0x12: {  	s1 =	sld [smem:$0x3F99];
	s0 =	simm.s32 @p0 $0x1  }
0x13: {  	[smem:$0x3FB4] =	sst s0;
	s0 =	simm.s32 @!p1 $0x0  }
0x14: {  	s2 =	sld [smem:$0x3F98];
	s0 =	simm.s32 @p1 $0x1  }
0x15: {  	[smem:$0x3FB5] =	sst s0;
	s0 =	simm.s32 @!p2 $0x0  }
0x16: {  	s3 =	sld [smem:$0x3FDB];
	s0 =	simm.s32 @p2 $0x1  }
0x17: {  	s4 =	simm.s32 $0x1BF5;
	[smem:$0x3FB7] =	sst s0  }
0x18: {  	s0 =	sld [smem:$0x3F9A];
	_ =	swait.ge [sflag:s4], $0x0  }
0x19: {  	s7 =	sld [smem:$0x3F9B]  }
0x1a: {  	s8 =	sadd.s32 $0xFFFFE003, lr  }
0x1b: {  	s9 =	sadd.s32 $0xFFFFFEF7, lr;
	s5 =	simm.s32 $0xFFFFFFFF;
	p2 =	slt.u32 s8, $0xFFFFF086  }
0x1c: {  	p1 =	slt.u32 s9, $0xF7A;
	s5 =	simm.s32 @!p2 $0x0  }
0x1d: {  	s5 =	simm.s32 @p1 $0x1;
	p0 =	seq.s32 s7, s2  }
0x1e: {  	s7 =	smul.u32 @!p0 $0xF7A, s2;
	p2 =	seq.s32 @!p0 s5, $0x0  }
0x1f: {  	s9 =	smul.u32 $0xF7A, s1;
	s8 =	simm.s32 @!p0 $0x1BF5;
	p2 =	por !p2, p0  }
0x20: {  	[sflag:s8] =	ssyncset.s32 @!p0 $0xFFFFF086;
	s6 =	sadd.s32 @!p0 s3, s7;
	s7 =	simm.s32 @!p0 $0x108  }
0x21: {  	s3 =	sadd.s32 s3, s9;
	s6 =	sadd.s32 @!p0 $0x88, s6;
	s7 =	simm.s32 @p2 $0x1082  }
0x22: {  	[simem:s7], [sflag:s8] =	dma.local @!p0 [hbm:s6], $0xF7A  }
0x23: {  	s9 =	sor.u32 $0xD0000000, s2;
	s6 =	simm.s32 $0x108;
	_ =	swait.ge @!p0 [sflag:s8], $0x0  }
0x24: {  	s3 =	sadd.s32 $0x88, s3;
	s6 =	simm.s32 @!p1 $0x1082;
	[sflag:s4] =	ssyncset.s32 $0xFFFFF086  }
0x25: {  	[simem:s6], [sflag:s4] =	dma.local [hbm:s3], $0xF7A  }
0x26: {  	[smem:$0x3F9B] =	sst s1;
	(tag) =	ssettag s2;
	_ =	strace s9  }
0x27: {  	s1 =	sld [smem:$0x3FAB]  }
0x28: {  	s2 =	sld [smem:$0x3FAC]  }
0x29: {  	s4 =	sld [smem:$0x3FAE]  }
0x2a: {  	p0 =	seq.s32 s5, $0x0;
	s5 =	sld [smem:$0x3FAF]  }
0x2b: {  	s6 =	sld [smem:$0x3FB0]  }
0x2c: {  	s7 =	sld [smem:$0x3FB1]  }
0x2d: {  	s3 =	simm.s32 $0x108;
	s8 =	sld [smem:$0x3FB2]  }
0x2e: {  	s3 =	simm.s32 @!p0 $0x1082;
	s9 =	sld [smem:$0x3FB3]  }
0x2f: {  	lr =	sadd.s32 s0, s3;
	s0 =	sld [smem:$0x3FAA]  }
0x30: {  	s3 =	sld [smem:$0x3FAD]  }
0x31: {  	[smem:$0x3FB6] =	sst s10  }
0x32: {  	s10 =	sld [smem:$0x3FB4];
	_ =	sdelay $0x3  }
0x33: {  	p0 =	seq.s32 s10, $0x1;
	s10 =	sld [smem:$0x3FB6];
	_ =	sdelay $0x3  }
0x34: {  	[smem:$0x3FB6] =	sst s10  }
0x35: {  	s10 =	sld [smem:$0x3FB5];
	_ =	sdelay $0x3  }
0x36: {  	p1 =	seq.s32 s10, $0x1;
	s10 =	sld [smem:$0x3FB6];
	_ =	sdelay $0x3  }
0x37: {  	[smem:$0x3FB6] =	sst s10  }
0x38: {  	s10 =	sld [smem:$0x3FB7]  }
0x39: {  	_ = 	snop;
	(pc) =	sbr.ind lr, $3  }
0x3a: {  	_ = 	snop  }
0x3b: {  	_ = 	snop  }
0x3c: {  	p2 =	seq.s32 s10, $0x1;
	s10 =	sld [smem:$0x3FB6]  }
0x3d: {  	_ =	shalt  }
0x3e: {  	_ =	shalt  }
0x3f: {  	_ =	shalt  }
0x40: {  	_ =	shalt  }
0x41: {  	_ =	shalt  }
0x42: {  	_ =	shalt  }
0x43: {  	_ =	shalt  }
0x44: {  	_ =	shalt  }
0x45: {  	_ =	shalt  }
0x46: {  	_ =	shalt  }
0x47: {  	_ =	shalt  }
0x48: {  	_ =	shalt  }
0x49: {  	_ =	shalt  }
0x4a: {  	_ =	shalt  }
0x4b: {  	_ =	shalt  }
0x4c: {  	_ =	shalt  }
0x4d: {  	_ =	shalt  }
0x4e: {  	_ =	shalt  }
0x4f: {  	_ =	shalt  }
0x50: {  	_ =	shalt  }
0x51: {  	_ =	shalt  }
0x52: {  	_ =	shalt  }
0x53: {  	_ =	shalt  }
0x54: {  	_ =	shalt  }
0x55: {  	_ =	shalt  }
0x56: {  	_ =	shalt  }
0x57: {  	_ =	shalt  }
0x58: {  	_ =	shalt  }
0x59: {  	_ =	shalt  }
0x5a: {  	_ =	shalt  }
0x5b: {  	_ =	shalt  }
0x5c: {  	_ =	shalt  }
0x5d: {  	_ =	shalt  }
0x5e: {  	_ =	shalt  }
0x5f: {  	_ =	shalt  }
0x60: {  	_ =	shalt  }
0x61: {  	_ =	shalt  }
0x62: {  	_ =	shalt  }
0x63: {  	_ =	shalt  }
0x64: {  	_ =	shalt  }
0x65: {  	_ =	shalt  }
0x66: {  	_ =	shalt  }
0x67: {  	_ =	shalt  }
0x68: {  	_ =	shalt  }
0x69: {  	_ =	shalt  }
0x6a: {  	_ =	shalt  }
0x6b: {  	_ =	shalt  }
0x6c: {  	_ =	shalt  }
0x6d: {  	_ =	shalt  }
0x6e: {  	_ =	shalt  }
0x6f: {  	_ =	shalt  }
0x70: {  	_ =	shalt  }
0x71: {  	_ =	shalt  }
0x72: {  	_ =	shalt  }
0x73: {  	_ =	shalt  }
0x74: {  	_ =	shalt  }
0x75: {  	_ =	shalt  }
0x76: {  	_ =	shalt  }
0x77: {  	_ =	shalt  }
0x78: {  	_ =	shalt  }
0x79: {  	_ =	shalt  }
0x7a: {  	_ =	shalt  }
0x7b: {  	_ =	shalt  }
0x7c: {  	_ =	shalt  }
0x7d: {  	_ =	shalt  }
0x7e: {  	_ =	shalt  }
0x7f: {  	_ =	shalt  }
0x80: {  	_ =	shalt  }
0x81: {  	_ =	shalt  }
0x82: {  	_ =	shalt  }
0x83: {  	_ =	shalt  }
0x84: {  	_ =	shalt  }
0x85: {  	_ =	shalt  }
0x86: {  	_ =	shalt  }
0x87: {  	_ =	shalt  }
.Lfunc_end0:
.L_simem_size_0:
called_computation_lowered:
.L_overlay_start_0:
0x88: {  	s2 =	sld [smem:$0x3FD9]  }
0x89: {  	s3 =	sld [smem:$0x3FFE];
	_ =	sdelay $0x1  }
0x8a: {  	s1 =	srdreg.scid  }
0x8b: {  	s0 =	sand.u32 $0x1, s1  }
0x8c: {  	s16 =	sshll.u32 s0, $0xA;
	s2 =	sadd.s32 s3, s2  }
0x8d: {  	s2 =	sadd.s32 s2, s16  }
0x8e: {  	[smem:$0x3FC2] =	sst s2  }
0x8f: {  	_ = 	snop  }
0x90: {  	(tm) =	ssettm $0x1  }
0x91: {  	s17 =	sld [smem:$0x3FFB];
	_ =	sdelay $0x3  }
0x92: {  	_ =	strace s17  }
0x93: {  	s2 =	sld [smem:$0x3FFC];
	_ =	sdelay $0x3  }
0x94: {  	_ =	strace s2  }
0x95: {  	s2 =	sld [smem:$0x3FFD];
	_ =	sdelay $0x3  }
0x96: {  	_ =	strace s2  }
0x97: {  	_ =	strace $0x8FFFFFFF  }
0x98: {  	s18 =	sld [smem:$0x3FDB];
	_ =	sdelay $0x1  }
0x99: {  	s19 =	simm.s32 $_scs_section_size  }
0x9a: {  	s4 =	simm.s32 $_size__tile_overlayer_lowered;
	s5 =	simm.s32 $_tile_overlayer_lowered  }
0x9b: {  	s22 =	simm.s32 $0x1BFF;
	s21 =	sshll.u32 s5, $0x1;
	s2 =	sadd.s32 s19, s18  }
0x9c: {  	s6 =	simm.s32 $0x0;
	s20 =	sshll.u32 s4, $0x1;
	s4 =	sadd.s32 s21, s2  }
0x9d: {  	[timem:s6], [sflag:s22] =	dma.local [hbm:s4], s20  }
0x9e: {  	_ =	swait.ge [sflag:s22], s20  }
0x9f: {  	s3 =	ssub.s32 $0x0, s20;
	[sflag:s22] =	ssyncset.done $0x0  }
0xa0: {  	[sflag:s22] =	ssyncadd.s32 s3;
	_ =	sdelay $0x1  }
0xa1: {  	s23 =	simm.s32 $0x1B8B  }
0xa2: {  	_ =	swait.ge [sflag:s23], $0x1  }
0xa3: {  	[sflag:s23] =	ssyncset.done $0x0  }
0xa4: {  	s25 =	simm.s32 $0x1B8E;
	s24 =	sld [smem:$0x3FFE];
	[sflag:s23] =	ssyncadd.s32 $0xFFFFFFFF  }
0xa5: {  	s26 =	simm.s32 $execute0_lowered;
	[smem:$0x3FD2] =	sst s25  }
0xa6: {  	s4 =	sshll.u32 s26, $0x1;
	_ =	strace $0x80000046;
	[dreg:$0x1] =	wrdreg $0xFFFFFFFF  }
0xa7: {  	s28 =	simm.s32 $_size_execute0_lowered;
	s2 =	sadd.s32 s2, s4;
	[dreg:$0x0] =	wrdreg $0x0  }
0xa8: {  	s4 =	sshll.u32 s28, $0x1;
	[dreg:$0x2] =	wrdreg s2  }
0xa9: {  	[dreg:$0x3] =	wrdreg s4  }
0xaa: {  	[dreg:$0x4] =	wrdreg $0xC0  }
0xab: {  	_ =	task [dreg:s6], $0x5FFFF  }
0xac: {  	[dreg:$0x1] =	wrdreg $0xFFFFFFFF  }
0xad: {  	[dreg:$0x0] =	wrdreg $0x60  }
0xae: {  	[dreg:$0x2] =	wrdreg s24  }
0xaf: {  	[dreg:$0x3] =	wrdreg $0x9  }
0xb0: {  	_ =	task.clear_ibuf [dreg:s6], $0x4FFFF;
	_ =	strace $0x90000046  }
0xb1: {  	s29 =	simm.s32 $0x9;
	_ =	strace $0x80000048  }
0xb2: {  	_ =	swait.ge [sflag:s29], $0x1  }
0xb3: {  	[sflag:s29] =	ssyncadd.s32 $0xFFFFFFFF  }
0xb4: {  	_ =	strace $0x90000048  }
0xb5: {  	_ =	sfence  }
0xb6: {  	s30 =	sld [smem:$0x0];
	_ =	sdelay $0x2  }
0xb7: {  	s31 =	sshll.u32 s1, $0xD;
	s1 =	sshrl.u32 s1, $0x2  }
0xb8: {  	s3 =	sand.u32 $0x4000, s31;
	s1 =	sadd.s32 s1, s30  }
0xb9: {  	s0 =	sor.u32 s3, s0;
	s1 =	sshll.u32 s1, $0x11  }
0xba: {  	s0 =	sor.u32 s1, s0  }
0xbb: {  	s0 =	sadd.s32 $0x8F2B, s0  }
0xbc: {  	[sflag:s0] =	ssyncadd.remote.s32 $0x1  }
0xbd: {  	_ =	sfence.sel $0xFFFF  }
0xbe: {  	[dreg:$0x0] =	wrdreg $0xFFFFFFFF;
	(pc) =	sbr.abs _section_cstart, $3  }
0xbf: {  	[dreg:$0x1] =	wrdreg $0xFFFFFFFF  }
0xc0: {  	_ =	task.clear_ibuf [dreg:s6], $0x2FFFF;
	_ =	strace $0x9FFFFFFF  }
0xc1: {  	(tm) =	ssettm $0x7FFFFFFF  }
tec
execute0_lowered:
.L_overlay_start_1:
0x0: {  	(tag) =	ssettag $0x1  }
0x1: {  	s1 =	srdreg.scid  }
0x2: {  	s0 =	stileid.u32;
	s4 =	rddreg [dreg:$0x0];
	s2 =	simm.s32 $0x0  }
0x3: {  	s9 =	simm.s32 $0x10C80;
	s3 =	sand.u32 $0x1, s1;
	s1 =	rddreg [dreg:$0x1]  }
0x4: {  	s10 =	simm.s32 $0x0;
	s31 =	sshll.u32 s0, $0x1;
	[smem:$0x7FF] =	sst s2  }
0x5: {  	s5 =	sor.u32 s3, s31;
	_ =	strace $0x80000047;
	s7 =	ssub.s32 $0x2, s3  }
0x6: {  	s6 =	smul.u32 $0x190, s5;
	s5 =	sshll.u32 s5, $0x8;
	s8 =	sshrl.u32 s7, $0x1  }
0x7: {  	v1 =	vlaneseq.u32;
	s3 =	sadd.s32 $0x4000, s4;
	s5 =	sadd.s32 s5, s4;
	s7 =	ssub.s32 s7, s8  }
0x8: {  	v0 =	vmul.u32 $0x64, v1;
	s8 =	simm.s32 $0x1;
	s6 =	sadd.s32 s6, s4;
	s5 =	sadd.s32 $0x6000, s5  }
0x9: {  	v1 =	vmul.u32 $0x40, v1;
	s4 =	sadd.s32 $0xE00, s6;
	s6 =	smax.u32 s7, $0x1;
	s7 =	simm.s32 $0xC80  }
.LBB2_1:
0xa: {  	[tilespmem:s7], [sflag:$0x1] =	stream.linear.gather [hbm4b:s3+s2], $0x10000, $0x38;
	[tilespmem:$0x11480] =	vst v63  }
0xb: {  	_ =	swait.ge [sflag:s8], $0x10000  }
0xc: {  	[sflag:s8] =	ssyncset.done $0x0  }
0xd: {  	[sflag:s8] =	ssyncadd.s32 $0xFFFF0000  }
0xe: {  	[tilespmem:s2], [sflag:$0x1] =	stream.linear.gather [hbm4b:s4+s2], $0xC80, $0x38;
	[tilespmem:$0x11480] =	vst v63  }
0xf: {  	_ =	swait.ge [sflag:s8], $0xC80  }
0x10: {  	[sflag:s8] =	ssyncset.done $0x0  }
0x11: {  	p1 =	por $0x1, $0x1;
	s12 =	simm.s32 $0x0;
	[sflag:s8] =	ssyncadd.s32 $0xFFFFF380  }
.LBB2_2:
0x12: {  	s11 =	smul.u32 $0x640, s12;
	_ =	sdelay $0x1  }
0x13: {  	s13 =	sadd.s32 $0x0, s11  }
0x14: {  	s31 =	sadd.s32 $0x1, s11;
	v2 =	vadd.s32 s13, v0  }
0x15: {  	v10 =	vadd.s32 s31, v0;
	_ =	sdelay $0x3  }
0x16: {  	v3 =	vld.idx.msk [tilespmem:v2+s2+$0x0], $0xffff  }
0x17: {  	v18 =	vld.idx.msk [tilespmem:v10+s2+$0x0], $0xffff;
	_ =	sdelay $0x3  }
0x18: {  	v2 =	vadd.s32 $0xF, v3  }
0x19: {  	v4 =	vadd.s32 $0x1, v3  }
0x1a: {  	v5 =	vadd.s32 $0x2, v3  }
0x1b: {  	v6 =	vadd.s32 $0x3, v3;
	v8 =	vld.idx.msk [tilespmem:v3+s7+$0x0], $0xffff  }
0x1c: {  	v7 =	vadd.s32 $0x4, v3;
	v28 =	vld.idx.msk [tilespmem:v18+s7+$0x0], $0xffff  }
0x1d: {  	v9 =	vadd.s32 $0x5, v3;
	v2 =	vld.idx.msk [tilespmem:v2+s7+$0x0], $0xffff  }
0x1e: {  	v12 =	vadd.s32 $0x6, v3;
	v4 =	vld.idx.msk [tilespmem:v4+s7+$0x0], $0xffff  }
0x1f: {  	v14 =	vadd.s32 $0x7, v3;
	v5 =	vld.idx.msk [tilespmem:v5+s7+$0x0], $0xffff  }
0x20: {  	v11 =	vimm.f32 $0.0e+00;
	v16 =	vadd.s32 $0x8, v3;
	v13 =	vld.idx.msk [tilespmem:v6+s7+$0x0], $0xffff  }
0x21: {  	v17 =	vadd.s32 $0x9, v3;
	v10 =	vadd.s32 $0xA, v3;
	v22 =	vadd.s32 $0xB, v3;
	v15 =	vld.idx.msk [tilespmem:v7+s7+$0x0], $0xffff  }
0x22: {  	v23 =	vadd.s32 $0xC, v3;
	v24 =	vadd.s32 $0xD, v3;
	v25 =	vadd.s32 $0xE, v3;
	v9 =	vld.idx.msk [tilespmem:v9+s7+$0x0], $0xffff  }
0x23: {  	v40 =	vadd.s32 $0x1, v18;
	v38 =	vadd.s32 $0x2, v18;
	v39 =	vadd.s32 $0x3, v18;
	v12 =	vld.idx.msk [tilespmem:v12+s7+$0x0], $0xffff  }
0x24: {  	v37 =	vadd.s32 $0x4, v18;
	v36 =	vadd.s32 $0x5, v18;
	v35 =	vadd.s32 $0x6, v18;
	v14 =	vld.idx.msk [tilespmem:v14+s7+$0x0], $0xffff  }
0x25: {  	v34 =	vadd.s32 $0x7, v18;
	v32 =	vadd.s32 $0x8, v18;
	v33 =	vadd.s32 $0x9, v18;
	v19 =	vld.idx.msk [tilespmem:v16+s7+$0x0], $0xffff  }
0x26: {  	v31 =	vadd.s32 $0xA, v18;
	v30 =	vadd.s32 $0xB, v18;
	v29 =	vadd.s32 $0xC, v18;
	v20 =	vld.idx.msk [tilespmem:v17+s7+$0x0], $0xffff  }
0x27: {  	v21 =	vld.idx.msk [tilespmem:v10+s7+$0x0], $0xffff;
	v6 =	vadd.f32 v5, v11;
	v5 =	vadd.f32 v13, v11;
	v13 =	vadd.s32 $0xF, v18  }
0x28: {  	v27 =	vadd.s32 $0xD, v18;
	v26 =	vadd.s32 $0xE, v18;
	v22 =	vld.idx.msk [tilespmem:v22+s7+$0x0], $0xffff;
	v8 =	vadd.f32 v8, v11  }
0x29: {  	v23 =	vld.idx.msk [tilespmem:v23+s7+$0x0], $0xffff;
	v16 =	vimm.f32 $0.0e+00;
	v2 =	vadd.f32 v2, v11;
	v7 =	vadd.f32 v4, v11  }
0x2a: {  	v24 =	vld.idx.msk [tilespmem:v24+s7+$0x0], $0xffff;
	v17 =	vimm.f32 $0.0e+00;
	v4 =	vadd.f32 v15, v11;
	v3 =	vadd.f32 v9, v11  }
0x2b: {  	v25 =	vld.idx.msk [tilespmem:v25+s7+$0x0], $0xffff;
	v10 =	vadd.f32 v12, v11;
	v9 =	vadd.f32 v14, v11;
	v14 =	vimm.f32 $0.0e+00  }
0x2c: {  	p0 =	por p1, p1;
	s14 =	sadd.s32 $0x2, s11;
	s13 =	simm.s32 $0x3;
	v18 =	vimm.f32 $0.0e+00;
	v15 =	vimm.f32 $0.0e+00;
	v12 =	vld.idx.msk [tilespmem:v13+s7+$0x0], $0xffff;
	v13 =	vimm.f32 $0.0e+00  }
.LBB2_3:
0x2d: {  	p1 =	sne.s32 s13, $0x63;
	v41 =	vadd.s32 s14, v0;
	v40 =	vld.idx.msk [tilespmem:v40+s7+$0x0], $0xffff;
	v11 =	vadd.f32 v19, v11;
	v16 =	vadd.f32 v20, v16  }
0x2e: {  	v17 =	vadd.f32 v21, v17;
	v14 =	vadd.f32 v22, v14;
	v19 =	vld.idx.msk [tilespmem:v38+s7+$0x0], $0xffff  }
0x2f: {  	v18 =	vadd.f32 v23, v18;
	v15 =	vadd.f32 v24, v15;
	v20 =	vld.idx.msk [tilespmem:v39+s7+$0x0], $0xffff  }
0x30: {  	v13 =	vadd.f32 v25, v13;
	v21 =	vld.idx.msk [tilespmem:v37+s7+$0x0], $0xffff  }
0x31: {  	v8 =	vadd.f32 v28, v8;
	v22 =	vld.idx.msk [tilespmem:v36+s7+$0x0], $0xffff  }
0x32: {  	v2 =	vadd.f32 v12, v2;
	v41 =	vld.idx.msk [tilespmem:v41+s2+$0x0], $0xffff  }
0x33: {  	v7 =	vadd.f32 v40, v7;
	v42 =	vld.idx.msk [tilespmem:v35+s7+$0x0], $0xffff  }
0x34: {  	v6 =	vadd.f32 v19, v6;
	v43 =	vld.idx.msk [tilespmem:v34+s7+$0x0], $0xffff  }
0x35: {  	v5 =	vadd.f32 v20, v5;
	v19 =	vld.idx.msk [tilespmem:v32+s7+$0x0], $0xffff  }
0x36: {  	v4 =	vadd.f32 v21, v4;
	v20 =	vld.idx.msk [tilespmem:v33+s7+$0x0], $0xffff  }
0x37: {  	v3 =	vadd.f32 v22, v3;
	v21 =	vld.idx.msk [tilespmem:v31+s7+$0x0], $0xffff  }
0x38: {  	v40 =	vadd.s32 $0x1, v41;
	v38 =	vadd.s32 $0x2, v41;
	v12 =	vadd.s32 $0xF, v41;
	v22 =	vld.idx.msk [tilespmem:v30+s7+$0x0], $0xffff  }
.Ltmp0:
0x39: {  	v39 =	vadd.s32 $0x3, v41;
	v37 =	vadd.s32 $0x4, v41;
	v36 =	vadd.s32 $0x5, v41;
	v23 =	vld.idx.msk [tilespmem:v29+s7+$0x0], $0xffff;
	(pc) =	sbr.rel @p1 .LBB2_3-.Ltmp0, $4  }
0x3a: {  	v35 =	vadd.s32 $0x6, v41;
	v34 =	vadd.s32 $0x7, v41;
	v32 =	vadd.s32 $0x8, v41;
	v24 =	vld.idx.msk [tilespmem:v27+s7+$0x0], $0xffff  }
0x3b: {  	v33 =	vadd.s32 $0x9, v41;
	v31 =	vadd.s32 $0xA, v41;
	v30 =	vadd.s32 $0xB, v41;
	v25 =	vld.idx.msk [tilespmem:v26+s7+$0x0], $0xffff  }
0x3c: {  	v29 =	vadd.s32 $0xC, v41;
	v27 =	vadd.s32 $0xD, v41;
	v26 =	vadd.s32 $0xE, v41;
	v28 =	vld.idx.msk [tilespmem:v41+s7+$0x0], $0xffff  }
0x3d: {  	s14 =	sadd.s32 s13, s11;
	s13 =	sadd.s32 $0x1, s13;
	v10 =	vadd.f32 v42, v10;
	v9 =	vadd.f32 v43, v9;
	v12 =	vld.idx.msk [tilespmem:v12+s7+$0x0], $0xffff  }
0x3e: {  	_ =	sdelay $0x3  }
0x3f: {  	v40 =	vld.idx.msk [tilespmem:v40+s7+$0x0], $0xffff  }
0x40: {  	v41 =	vadd.s32 s14, v0;
	v38 =	vld.idx.msk [tilespmem:v38+s7+$0x0], $0xffff  }
0x41: {  	v39 =	vld.idx.msk [tilespmem:v39+s7+$0x0], $0xffff  }
0x42: {  	v37 =	vld.idx.msk [tilespmem:v37+s7+$0x0], $0xffff  }
0x43: {  	v36 =	vld.idx.msk [tilespmem:v36+s7+$0x0], $0xffff  }
0x44: {  	v35 =	vld.idx.msk [tilespmem:v35+s7+$0x0], $0xffff  }
0x45: {  	v41 =	vld.idx.msk [tilespmem:v41+s2+$0x0], $0xffff  }
0x46: {  	v34 =	vld.idx.msk [tilespmem:v34+s7+$0x0], $0xffff  }
0x47: {  	v32 =	vld.idx.msk [tilespmem:v32+s7+$0x0], $0xffff  }
0x48: {  	v33 =	vld.idx.msk [tilespmem:v33+s7+$0x0], $0xffff  }
0x49: {  	v31 =	vld.idx.msk [tilespmem:v31+s7+$0x0], $0xffff  }
0x4a: {  	v30 =	vld.idx.msk [tilespmem:v30+s7+$0x0], $0xffff;
	v42 =	vadd.s32 $0xF, v41  }
0x4b: {  	v29 =	vld.idx.msk [tilespmem:v29+s7+$0x0], $0xffff;
	v43 =	vadd.s32 $0x1, v41  }
0x4c: {  	v27 =	vld.idx.msk [tilespmem:v27+s7+$0x0], $0xffff;
	v44 =	vadd.s32 $0x2, v41  }
0x4d: {  	v26 =	vld.idx.msk [tilespmem:v26+s7+$0x0], $0xffff;
	v45 =	vadd.s32 $0x3, v41  }
0x4e: {  	v46 =	vadd.s32 $0x4, v41;
	v47 =	vld.idx.msk [tilespmem:v41+s7+$0x0], $0xffff  }
0x4f: {  	v48 =	vadd.s32 $0x5, v41;
	v42 =	vld.idx.msk [tilespmem:v42+s7+$0x0], $0xffff  }
0x50: {  	v49 =	vadd.s32 $0x6, v41;
	v43 =	vld.idx.msk [tilespmem:v43+s7+$0x0], $0xffff  }
0x51: {  	v50 =	vadd.s32 $0x7, v41;
	v44 =	vld.idx.msk [tilespmem:v44+s7+$0x0], $0xffff  }
0x52: {  	v51 =	vadd.s32 $0x8, v41;
	v45 =	vld.idx.msk [tilespmem:v45+s7+$0x0], $0xffff  }
0x53: {  	v52 =	vadd.s32 $0x9, v41;
	v46 =	vld.idx.msk [tilespmem:v46+s7+$0x0], $0xffff  }
0x54: {  	v53 =	vadd.s32 $0xA, v41;
	v48 =	vld.idx.msk [tilespmem:v48+s7+$0x0], $0xffff  }
0x55: {  	v11 =	vadd.f32 v19, v11;
	v54 =	vadd.s32 $0xB, v41;
	v49 =	vld.idx.msk [tilespmem:v49+s7+$0x0], $0xffff  }
0x56: {  	v16 =	vadd.f32 v20, v16;
	v17 =	vadd.f32 v21, v17;
	v55 =	vadd.s32 $0xC, v41;
	v50 =	vld.idx.msk [tilespmem:v50+s7+$0x0], $0xffff  }
0x57: {  	s12 =	sshll.u32 s12, $0xA;
	v14 =	vadd.f32 v22, v14;
	v18 =	vadd.f32 v23, v18;
	v19 =	vadd.s32 $0xD, v41;
	v51 =	vld.idx.msk [tilespmem:v51+s7+$0x0], $0xffff  }
0x58: {  	v23 =	vor.u32 s12, v1;
	s13 =	sor.u32 $0x1, s12;
	v15 =	vadd.f32 v24, v15;
	v20 =	vadd.s32 $0xE, v41;
	v21 =	vld.idx.msk [tilespmem:v52+s7+$0x0], $0xffff  }
0x59: {  	s15 =	sor.u32 $0x2, s12;
	v13 =	vadd.f32 v25, v13;
	v8 =	vadd.f32 v28, v8;
	v28 =	vor.u32 s13, v1;
	v22 =	vld.idx.msk [tilespmem:v53+s7+$0x0], $0xffff  }
0x5a: {  	s16 =	sor.u32 $0x3, s12;
	v60 =	vor.u32 s15, v1;
	v7 =	vadd.f32 v40, v7;
	v6 =	vadd.f32 v38, v6;
	v24 =	vld.idx.msk [tilespmem:v54+s7+$0x0], $0xffff  }
0x5b: {  	s17 =	sor.u32 $0x4, s12;
	v61 =	vor.u32 s16, v1;
	v5 =	vadd.f32 v39, v5;
	v25 =	vld.idx.msk [tilespmem:v55+s7+$0x0], $0xffff;
	v8 =	vadd.f32 v47, v8  }
0x5c: {  	s18 =	sor.u32 $0x5, s12;
	v62 =	vor.u32 s17, v1;
	v4 =	vadd.f32 v37, v4;
	v19 =	vld.idx.msk [tilespmem:v19+s7+$0x0], $0xffff;
	v7 =	vadd.f32 v43, v7  }
0x5d: {  	s19 =	sor.u32 $0x6, s12;
	v20 =	vld.idx.msk [tilespmem:v20+s7+$0x0], $0xffff;
	[tilespmem:v23+s9+$0x0] =	vst.idx.msk $0xffff, v8;
	v6 =	vadd.f32 v44, v6;
	v8 =	vor.u32 s18, v1  }
0x5e: {  	s20 =	sor.u32 $0x7, s12;
	v3 =	vadd.f32 v36, v3;
	v5 =	vadd.f32 v45, v5;
	[tilespmem:v28+s9+$0x0] =	vst.idx.msk $0xffff, v7;
	v7 =	vor.u32 s19, v1  }
0x5f: {  	s21 =	sor.u32 $0x8, s12;
	v10 =	vadd.f32 v35, v10;
	v4 =	vadd.f32 v46, v4;
	[tilespmem:v60+s9+$0x0] =	vst.idx.msk $0xffff, v6;
	v6 =	vor.u32 s20, v1  }
0x60: {  	s22 =	sor.u32 $0x9, s12;
	v9 =	vadd.f32 v34, v9;
	v3 =	vadd.f32 v48, v3;
	[tilespmem:v61+s9+$0x0] =	vst.idx.msk $0xffff, v5;
	v5 =	vor.u32 s21, v1  }
0x61: {  	s23 =	sor.u32 $0xA, s12;
	v11 =	vadd.f32 v32, v11;
	v10 =	vadd.f32 v49, v10;
	[tilespmem:v62+s9+$0x0] =	vst.idx.msk $0xffff, v4;
	v4 =	vor.u32 s22, v1  }
0x62: {  	s24 =	sor.u32 $0xB, s12;
	v16 =	vadd.f32 v33, v16;
	v9 =	vadd.f32 v50, v9;
	[tilespmem:v8+s9+$0x0] =	vst.idx.msk $0xffff, v3;
	v3 =	vor.u32 s23, v1  }
0x63: {  	s25 =	sor.u32 $0xC, s12;
	v11 =	vadd.f32 v51, v11;
	v8 =	vadd.f32 v31, v17;
	[tilespmem:v7+s9+$0x0] =	vst.idx.msk $0xffff, v10;
	v7 =	vor.u32 s24, v1  }
0x64: {  	s26 =	sor.u32 $0xD, s12;
	v10 =	vadd.f32 v30, v14;
	v14 =	vadd.f32 v21, v16;
	[tilespmem:v6+s9+$0x0] =	vst.idx.msk $0xffff, v9;
	v6 =	vor.u32 s25, v1  }
0x65: {  	s28 =	sor.u32 $0xE, s12;
	v9 =	vadd.f32 v29, v18;
	v8 =	vadd.f32 v22, v8;
	[tilespmem:v5+s9+$0x0] =	vst.idx.msk $0xffff, v11;
	v5 =	vor.u32 s26, v1  }
0x66: {  	s29 =	sor.u32 $0xF, s12;
	v11 =	vadd.f32 v27, v15;
	v10 =	vadd.f32 v24, v10;
	[tilespmem:v4+s9+$0x0] =	vst.idx.msk $0xffff, v14;
	v4 =	vor.u32 s28, v1  }
0x67: {  	s30 =	sadd.s32 $0x0, s11;
	v13 =	vadd.f32 v26, v13;
	v9 =	vadd.f32 v25, v9;
	[tilespmem:v3+s9+$0x0] =	vst.idx.msk $0xffff, v8;
	v3 =	vor.u32 s29, v1  }
0x68: {  	v2 =	vadd.f32 v12, v2;
	v8 =	vadd.f32 v19, v11;
	[tilespmem:v7+s9+$0x0] =	vst.idx.msk $0xffff, v10;
	v7 =	vadd.s32 s30, v0  }
0x69: {  	v10 =	vadd.f32 v20, v13;
	[tilespmem:v6+s9+$0x0] =	vst.idx.msk $0xffff, v9  }
0x6a: {  	v2 =	vadd.f32 v42, v2;
	[tilespmem:v5+s9+$0x0] =	vst.idx.msk $0xffff, v8  }
0x6b: {  	[tilespmem:v4+s9+$0x0] =	vst.idx.msk $0xffff, v10  }
0x6c: {  	[tilespmem:v3+s9+$0x0] =	vst.idx.msk $0xffff, v2  }
0x6d: {  	v3 =	vld.idx.msk [tilespmem:v7+s2+$0x0], $0xffff;
	_ =	sdelay $0x2  }
0x6e: {  	s31 =	sadd.s32 $0x1, s11  }
0x6f: {  	v9 =	vadd.s32 s31, v0  }
0x70: {  	v2 =	vadd.s32 $0x1F, v3  }
0x71: {  	v4 =	vadd.s32 $0x10, v3  }
0x72: {  	v5 =	vadd.s32 $0x11, v3  }
0x73: {  	v6 =	vadd.s32 $0x12, v3  }
0x74: {  	v14 =	vld.idx.msk [tilespmem:v9+s2+$0x0], $0xffff;
	v7 =	vadd.s32 $0x13, v3  }
0x75: {  	v8 =	vadd.s32 $0x14, v3;
	v2 =	vld.idx.msk [tilespmem:v2+s7+$0x0], $0xffff  }
0x76: {  	v12 =	vadd.s32 $0x16, v3;
	v4 =	vld.idx.msk [tilespmem:v4+s7+$0x0], $0xffff  }
0x77: {  	v13 =	vadd.s32 $0x17, v3;
	v5 =	vld.idx.msk [tilespmem:v5+s7+$0x0], $0xffff  }
0x78: {  	v15 =	vadd.s32 $0x18, v3;
	v10 =	vld.idx.msk [tilespmem:v6+s7+$0x0], $0xffff  }
0x79: {  	v9 =	vimm.f32 $0.0e+00;
	v16 =	vadd.s32 $0x19, v3;
	v17 =	vadd.s32 $0x1A, v3;
	v11 =	vld.idx.msk [tilespmem:v7+s7+$0x0], $0xffff  }
0x7a: {  	v18 =	vadd.s32 $0x1B, v3;
	v24 =	vadd.s32 $0x1C, v3;
	v6 =	vadd.s32 $0x15, v3;
	v8 =	vld.idx.msk [tilespmem:v8+s7+$0x0], $0xffff  }
0x7b: {  	v27 =	vadd.s32 $0x1D, v3;
	v63 =	vadd.s32 $0x1E, v3;
	v41 =	vadd.s32 $0x10, v14;
	v12 =	vld.idx.msk [tilespmem:v12+s7+$0x0], $0xffff  }
0x7c: {  	v39 =	vadd.s32 $0x11, v14;
	v40 =	vadd.s32 $0x12, v14;
	v38 =	vadd.s32 $0x13, v14;
	v19 =	vld.idx.msk [tilespmem:v13+s7+$0x0], $0xffff  }
0x7d: {  	v37 =	vadd.s32 $0x14, v14;
	v36 =	vadd.s32 $0x15, v14;
	v35 =	vadd.s32 $0x16, v14;
	v20 =	vld.idx.msk [tilespmem:v15+s7+$0x0], $0xffff  }
0x7e: {  	v33 =	vadd.s32 $0x17, v14;
	v34 =	vadd.s32 $0x18, v14;
	v32 =	vadd.s32 $0x19, v14;
	v21 =	vld.idx.msk [tilespmem:v16+s7+$0x0], $0xffff  }
0x7f: {  	v31 =	vadd.s32 $0x1A, v14;
	v30 =	vadd.s32 $0x1B, v14;
	v29 =	vadd.s32 $0x1C, v14;
	v28 =	vld.idx.msk [tilespmem:v6+s7+$0x0], $0xffff  }
0x80: {  	v23 =	vld.idx.msk [tilespmem:v18+s7+$0x0], $0xffff;
	v7 =	vadd.f32 v4, v9;
	v4 =	vadd.f32 v11, v9;
	v11 =	vadd.s32 $0x1F, v14  }
0x81: {  	v25 =	vadd.s32 $0x1D, v14;
	v26 =	vld.idx.msk [tilespmem:v24+s7+$0x0], $0xffff;
	v24 =	vadd.s32 $0x1E, v14;
	v18 =	vimm.f32 $0.0e+00  }
0x82: {  	v22 =	vld.idx.msk [tilespmem:v17+s7+$0x0], $0xffff;
	v15 =	vimm.f32 $0.0e+00;
	v16 =	vimm.f32 $0.0e+00;
	v2 =	vadd.f32 v2, v9  }
0x83: {  	v27 =	vld.idx.msk [tilespmem:v27+s7+$0x0], $0xffff;
	v13 =	vimm.f32 $0.0e+00;
	v6 =	vadd.f32 v5, v9;
	v5 =	vadd.f32 v10, v9  }
0x84: {  	v17 =	vimm.f32 $0.0e+00;
	v3 =	vadd.f32 v8, v9;
	v10 =	vadd.f32 v28, v9;
	v28 =	vld.idx.msk [tilespmem:v63+s7+$0x0], $0xffff  }
0x85: {  	s14 =	sadd.s32 $0x2, s11;
	s13 =	simm.s32 $0x3;
	v8 =	vadd.f32 v12, v9;
	v14 =	vimm.f32 $0.0e+00;
	v12 =	vimm.f32 $0.0e+00;
	v11 =	vld.idx.msk [tilespmem:v11+s7+$0x0], $0xffff  }
.LBB2_5:
0x86: {  	p1 =	sne.s32 s13, $0x63;
	v42 =	vadd.s32 s14, v0;
	v41 =	vld.idx.msk [tilespmem:v41+s7+$0x0], $0xffff;
	v9 =	vadd.f32 v19, v9;
	v18 =	vadd.f32 v20, v18  }
0x87: {  	v15 =	vadd.f32 v21, v15;
	v16 =	vadd.f32 v22, v16;
	v19 =	vld.idx.msk [tilespmem:v39+s7+$0x0], $0xffff  }
0x88: {  	v13 =	vadd.f32 v23, v13;
	v17 =	vadd.f32 v26, v17;
	v20 =	vld.idx.msk [tilespmem:v40+s7+$0x0], $0xffff  }
0x89: {  	v14 =	vadd.f32 v27, v14;
	v21 =	vld.idx.msk [tilespmem:v38+s7+$0x0], $0xffff  }
0x8a: {  	v12 =	vadd.f32 v28, v12;
	v22 =	vld.idx.msk [tilespmem:v37+s7+$0x0], $0xffff  }
0x8b: {  	v2 =	vadd.f32 v11, v2;
	v42 =	vld.idx.msk [tilespmem:v42+s2+$0x0], $0xffff  }
0x8c: {  	v7 =	vadd.f32 v41, v7;
	v43 =	vld.idx.msk [tilespmem:v36+s7+$0x0], $0xffff  }
0x8d: {  	v6 =	vadd.f32 v19, v6;
	v44 =	vld.idx.msk [tilespmem:v35+s7+$0x0], $0xffff  }
0x8e: {  	v5 =	vadd.f32 v20, v5;
	v19 =	vld.idx.msk [tilespmem:v33+s7+$0x0], $0xffff  }
0x8f: {  	v4 =	vadd.f32 v21, v4;
	v20 =	vld.idx.msk [tilespmem:v34+s7+$0x0], $0xffff  }
0x90: {  	v3 =	vadd.f32 v22, v3;
	v21 =	vld.idx.msk [tilespmem:v32+s7+$0x0], $0xffff  }
0x91: {  	v41 =	vadd.s32 $0x10, v42;
	v39 =	vadd.s32 $0x11, v42;
	v11 =	vadd.s32 $0x1F, v42;
	v22 =	vld.idx.msk [tilespmem:v31+s7+$0x0], $0xffff  }
.Ltmp1:
0x92: {  	v40 =	vadd.s32 $0x12, v42;
	v38 =	vadd.s32 $0x13, v42;
	v37 =	vadd.s32 $0x14, v42;
	v23 =	vld.idx.msk [tilespmem:v30+s7+$0x0], $0xffff;
	(pc) =	sbr.rel @p1 .LBB2_5-.Ltmp1, $4  }
0x93: {  	v36 =	vadd.s32 $0x15, v42;
	v35 =	vadd.s32 $0x16, v42;
	v33 =	vadd.s32 $0x17, v42;
	v26 =	vld.idx.msk [tilespmem:v29+s7+$0x0], $0xffff  }
0x94: {  	v34 =	vadd.s32 $0x18, v42;
	v32 =	vadd.s32 $0x19, v42;
	v31 =	vadd.s32 $0x1A, v42;
	v27 =	vld.idx.msk [tilespmem:v25+s7+$0x0], $0xffff  }
0x95: {  	v30 =	vadd.s32 $0x1B, v42;
	v29 =	vadd.s32 $0x1C, v42;
	v25 =	vadd.s32 $0x1D, v42;
	v28 =	vld.idx.msk [tilespmem:v24+s7+$0x0], $0xffff  }
0x96: {  	s14 =	sadd.s32 s13, s11;
	s13 =	sadd.s32 $0x1, s13;
	v10 =	vadd.f32 v43, v10;
	v8 =	vadd.f32 v44, v8;
	v24 =	vadd.s32 $0x1E, v42;
	v11 =	vld.idx.msk [tilespmem:v11+s7+$0x0], $0xffff  }
0x97: {  	_ =	sdelay $0x3  }
0x98: {  	v41 =	vld.idx.msk [tilespmem:v41+s7+$0x0], $0xffff  }
0x99: {  	v42 =	vadd.s32 s14, v0;
	v39 =	vld.idx.msk [tilespmem:v39+s7+$0x0], $0xffff  }
0x9a: {  	v40 =	vld.idx.msk [tilespmem:v40+s7+$0x0], $0xffff  }
0x9b: {  	v38 =	vld.idx.msk [tilespmem:v38+s7+$0x0], $0xffff  }
0x9c: {  	v37 =	vld.idx.msk [tilespmem:v37+s7+$0x0], $0xffff  }
0x9d: {  	v36 =	vld.idx.msk [tilespmem:v36+s7+$0x0], $0xffff  }
0x9e: {  	v42 =	vld.idx.msk [tilespmem:v42+s2+$0x0], $0xffff  }
0x9f: {  	v35 =	vld.idx.msk [tilespmem:v35+s7+$0x0], $0xffff  }
0xa0: {  	v33 =	vld.idx.msk [tilespmem:v33+s7+$0x0], $0xffff  }
0xa1: {  	v34 =	vld.idx.msk [tilespmem:v34+s7+$0x0], $0xffff  }
0xa2: {  	v32 =	vld.idx.msk [tilespmem:v32+s7+$0x0], $0xffff  }
0xa3: {  	v31 =	vld.idx.msk [tilespmem:v31+s7+$0x0], $0xffff;
	v43 =	vadd.s32 $0x1F, v42  }
0xa4: {  	v30 =	vld.idx.msk [tilespmem:v30+s7+$0x0], $0xffff;
	v44 =	vadd.s32 $0x10, v42  }
0xa5: {  	v29 =	vld.idx.msk [tilespmem:v29+s7+$0x0], $0xffff;
	v45 =	vadd.s32 $0x11, v42  }
0xa6: {  	v25 =	vld.idx.msk [tilespmem:v25+s7+$0x0], $0xffff;
	v46 =	vadd.s32 $0x12, v42  }
0xa7: {  	v24 =	vld.idx.msk [tilespmem:v24+s7+$0x0], $0xffff;
	v47 =	vadd.s32 $0x13, v42  }
0xa8: {  	v48 =	vadd.s32 $0x14, v42;
	v43 =	vld.idx.msk [tilespmem:v43+s7+$0x0], $0xffff  }
0xa9: {  	v49 =	vadd.s32 $0x15, v42;
	v44 =	vld.idx.msk [tilespmem:v44+s7+$0x0], $0xffff  }
0xaa: {  	v50 =	vadd.s32 $0x16, v42;
	v45 =	vld.idx.msk [tilespmem:v45+s7+$0x0], $0xffff  }
0xab: {  	v51 =	vadd.s32 $0x17, v42;
	v46 =	vld.idx.msk [tilespmem:v46+s7+$0x0], $0xffff  }
0xac: {  	v52 =	vadd.s32 $0x18, v42;
	v47 =	vld.idx.msk [tilespmem:v47+s7+$0x0], $0xffff  }
0xad: {  	v53 =	vadd.s32 $0x19, v42;
	v48 =	vld.idx.msk [tilespmem:v48+s7+$0x0], $0xffff  }
0xae: {  	v54 =	vadd.s32 $0x1A, v42;
	v49 =	vld.idx.msk [tilespmem:v49+s7+$0x0], $0xffff  }
0xaf: {  	v9 =	vadd.f32 v19, v9;
	v18 =	vadd.f32 v20, v18;
	v55 =	vadd.s32 $0x1B, v42;
	v50 =	vld.idx.msk [tilespmem:v50+s7+$0x0], $0xffff  }
0xb0: {  	v15 =	vadd.f32 v21, v15;
	v16 =	vadd.f32 v22, v16;
	v56 =	vadd.s32 $0x1C, v42;
	v51 =	vld.idx.msk [tilespmem:v51+s7+$0x0], $0xffff  }
0xb1: {  	s13 =	sor.u32 $0x10, s12;
	v13 =	vadd.f32 v23, v13;
	v17 =	vadd.f32 v26, v17;
	v19 =	vadd.s32 $0x1D, v42;
	v20 =	vld.idx.msk [tilespmem:v52+s7+$0x0], $0xffff  }
0xb2: {  	s14 =	sor.u32 $0x11, s12;
	v26 =	vor.u32 s13, v1;
	v14 =	vadd.f32 v27, v14;
	v21 =	vadd.s32 $0x1E, v42;
	v22 =	vld.idx.msk [tilespmem:v53+s7+$0x0], $0xffff  }
0xb3: {  	s15 =	sor.u32 $0x12, s12;
	v59 =	vor.u32 s14, v1;
	v12 =	vadd.f32 v28, v12;
	v7 =	vadd.f32 v41, v7;
	v23 =	vld.idx.msk [tilespmem:v54+s7+$0x0], $0xffff  }
0xb4: {  	s16 =	sor.u32 $0x13, s12;
	v60 =	vor.u32 s15, v1;
	v6 =	vadd.f32 v39, v6;
	v5 =	vadd.f32 v40, v5;
	v27 =	vld.idx.msk [tilespmem:v55+s7+$0x0], $0xffff  }
0xb5: {  	s17 =	sor.u32 $0x14, s12;
	v61 =	vor.u32 s16, v1;
	v4 =	vadd.f32 v38, v4;
	v28 =	vld.idx.msk [tilespmem:v56+s7+$0x0], $0xffff;
	v7 =	vadd.f32 v44, v7  }
0xb6: {  	s18 =	sor.u32 $0x15, s12;
	v62 =	vor.u32 s17, v1;
	v3 =	vadd.f32 v37, v3;
	v19 =	vld.idx.msk [tilespmem:v19+s7+$0x0], $0xffff;
	v6 =	vadd.f32 v45, v6  }
0xb7: {  	s19 =	sor.u32 $0x16, s12;
	v21 =	vld.idx.msk [tilespmem:v21+s7+$0x0], $0xffff;
	v5 =	vadd.f32 v46, v5;
	[tilespmem:v26+s9+$0x0] =	vst.idx.msk $0xffff, v7;
	v7 =	vor.u32 s18, v1  }
0xb8: {  	s20 =	sor.u32 $0x17, s12;
	v10 =	vadd.f32 v36, v10;
	v4 =	vadd.f32 v47, v4;
	[tilespmem:v59+s9+$0x0] =	vst.idx.msk $0xffff, v6;
	v6 =	vor.u32 s19, v1  }
0xb9: {  	s21 =	sor.u32 $0x18, s12;
	v8 =	vadd.f32 v35, v8;
	v3 =	vadd.f32 v48, v3;
	[tilespmem:v60+s9+$0x0] =	vst.idx.msk $0xffff, v5;
	v5 =	vor.u32 s20, v1  }
0xba: {  	s22 =	sor.u32 $0x19, s12;
	v9 =	vadd.f32 v33, v9;
	v10 =	vadd.f32 v49, v10;
	[tilespmem:v61+s9+$0x0] =	vst.idx.msk $0xffff, v4;
	v4 =	vor.u32 s21, v1  }
0xbb: {  	s23 =	sor.u32 $0x1A, s12;
	v18 =	vadd.f32 v34, v18;
	v8 =	vadd.f32 v50, v8;
	[tilespmem:v62+s9+$0x0] =	vst.idx.msk $0xffff, v3;
	v3 =	vor.u32 s22, v1  }
0xbc: {  	s24 =	sor.u32 $0x1B, s12;
	v15 =	vadd.f32 v32, v15;
	v9 =	vadd.f32 v51, v9;
	[tilespmem:v7+s9+$0x0] =	vst.idx.msk $0xffff, v10;
	v7 =	vor.u32 s23, v1  }
0xbd: {  	s25 =	sor.u32 $0x1C, s12;
	v10 =	vadd.f32 v31, v16;
	v16 =	vadd.f32 v20, v18;
	[tilespmem:v6+s9+$0x0] =	vst.idx.msk $0xffff, v8;
	v6 =	vor.u32 s24, v1  }
0xbe: {  	s26 =	sor.u32 $0x1D, s12;
	v8 =	vadd.f32 v30, v13;
	v13 =	vadd.f32 v22, v15;
	[tilespmem:v5+s9+$0x0] =	vst.idx.msk $0xffff, v9;
	v5 =	vor.u32 s25, v1  }
0xbf: {  	s28 =	sor.u32 $0x1E, s12;
	v9 =	vadd.f32 v29, v17;
	v10 =	vadd.f32 v23, v10;
	[tilespmem:v4+s9+$0x0] =	vst.idx.msk $0xffff, v16;
	v4 =	vor.u32 s26, v1  }
0xc0: {  	s29 =	sor.u32 $0x1F, s12;
	v14 =	vadd.f32 v25, v14;
	v8 =	vadd.f32 v27, v8;
	[tilespmem:v3+s9+$0x0] =	vst.idx.msk $0xffff, v13;
	v3 =	vor.u32 s28, v1  }
0xc1: {  	s30 =	sadd.s32 $0x0, s11;
	v12 =	vadd.f32 v24, v12;
	v9 =	vadd.f32 v28, v9;
	[tilespmem:v7+s9+$0x0] =	vst.idx.msk $0xffff, v10;
	v7 =	vor.u32 s29, v1  }
0xc2: {  	v2 =	vadd.f32 v11, v2;
	v10 =	vadd.f32 v19, v14;
	[tilespmem:v6+s9+$0x0] =	vst.idx.msk $0xffff, v8;
	v6 =	vadd.s32 s30, v0  }
0xc3: {  	v8 =	vadd.f32 v21, v12;
	[tilespmem:v5+s9+$0x0] =	vst.idx.msk $0xffff, v9  }
0xc4: {  	v2 =	vadd.f32 v43, v2;
	[tilespmem:v4+s9+$0x0] =	vst.idx.msk $0xffff, v10  }
0xc5: {  	[tilespmem:v3+s9+$0x0] =	vst.idx.msk $0xffff, v8  }
0xc6: {  	[tilespmem:v7+s9+$0x0] =	vst.idx.msk $0xffff, v2  }
0xc7: {  	v3 =	vld.idx.msk [tilespmem:v6+s2+$0x0], $0xffff;
	_ =	sdelay $0x2  }
0xc8: {  	s31 =	sadd.s32 $0x1, s11  }
0xc9: {  	v9 =	vadd.s32 s31, v0  }
0xca: {  	v2 =	vadd.s32 $0x2F, v3  }
0xcb: {  	v4 =	vadd.s32 $0x20, v3  }
0xcc: {  	v5 =	vadd.s32 $0x21, v3  }
0xcd: {  	v6 =	vadd.s32 $0x22, v3  }
0xce: {  	v14 =	vld.idx.msk [tilespmem:v9+s2+$0x0], $0xffff;
	v7 =	vadd.s32 $0x23, v3  }
0xcf: {  	v8 =	vadd.s32 $0x24, v3;
	v2 =	vld.idx.msk [tilespmem:v2+s7+$0x0], $0xffff  }
0xd0: {  	v12 =	vadd.s32 $0x26, v3;
	v4 =	vld.idx.msk [tilespmem:v4+s7+$0x0], $0xffff  }
0xd1: {  	v13 =	vadd.s32 $0x27, v3;
	v5 =	vld.idx.msk [tilespmem:v5+s7+$0x0], $0xffff  }
0xd2: {  	v15 =	vadd.s32 $0x28, v3;
	v10 =	vld.idx.msk [tilespmem:v6+s7+$0x0], $0xffff  }
0xd3: {  	v9 =	vimm.f32 $0.0e+00;
	v16 =	vadd.s32 $0x29, v3;
	v17 =	vadd.s32 $0x2A, v3;
	v11 =	vld.idx.msk [tilespmem:v7+s7+$0x0], $0xffff  }
0xd4: {  	v18 =	vadd.s32 $0x2B, v3;
	v24 =	vadd.s32 $0x2C, v3;
	v6 =	vadd.s32 $0x25, v3;
	v8 =	vld.idx.msk [tilespmem:v8+s7+$0x0], $0xffff  }
0xd5: {  	v27 =	vadd.s32 $0x2D, v3;
	v63 =	vadd.s32 $0x2E, v3;
	v41 =	vadd.s32 $0x20, v14;
	v12 =	vld.idx.msk [tilespmem:v12+s7+$0x0], $0xffff  }
0xd6: {  	v39 =	vadd.s32 $0x21, v14;
	v40 =	vadd.s32 $0x22, v14;
	v38 =	vadd.s32 $0x23, v14;
	v19 =	vld.idx.msk [tilespmem:v13+s7+$0x0], $0xffff  }
0xd7: {  	v37 =	vadd.s32 $0x24, v14;
	v36 =	vadd.s32 $0x25, v14;
	v35 =	vadd.s32 $0x26, v14;
	v20 =	vld.idx.msk [tilespmem:v15+s7+$0x0], $0xffff  }
0xd8: {  	v33 =	vadd.s32 $0x27, v14;
	v34 =	vadd.s32 $0x28, v14;
	v32 =	vadd.s32 $0x29, v14;
	v21 =	vld.idx.msk [tilespmem:v16+s7+$0x0], $0xffff  }
0xd9: {  	v31 =	vadd.s32 $0x2A, v14;
	v30 =	vadd.s32 $0x2B, v14;
	v29 =	vadd.s32 $0x2C, v14;
	v28 =	vld.idx.msk [tilespmem:v6+s7+$0x0], $0xffff  }
0xda: {  	v23 =	vld.idx.msk [tilespmem:v18+s7+$0x0], $0xffff;
	v7 =	vadd.f32 v4, v9;
	v4 =	vadd.f32 v11, v9;
	v11 =	vadd.s32 $0x2F, v14  }
0xdb: {  	v25 =	vadd.s32 $0x2D, v14;
	v26 =	vld.idx.msk [tilespmem:v24+s7+$0x0], $0xffff;
	v24 =	vadd.s32 $0x2E, v14;
	v18 =	vimm.f32 $0.0e+00  }
0xdc: {  	v22 =	vld.idx.msk [tilespmem:v17+s7+$0x0], $0xffff;
	v15 =	vimm.f32 $0.0e+00;
	v16 =	vimm.f32 $0.0e+00;
	v2 =	vadd.f32 v2, v9  }
0xdd: {  	v27 =	vld.idx.msk [tilespmem:v27+s7+$0x0], $0xffff;
	v13 =	vimm.f32 $0.0e+00;
	v6 =	vadd.f32 v5, v9;
	v5 =	vadd.f32 v10, v9  }
0xde: {  	v17 =	vimm.f32 $0.0e+00;
	v3 =	vadd.f32 v8, v9;
	v10 =	vadd.f32 v28, v9;
	v28 =	vld.idx.msk [tilespmem:v63+s7+$0x0], $0xffff  }
0xdf: {  	s14 =	sadd.s32 $0x2, s11;
	s13 =	simm.s32 $0x3;
	v8 =	vadd.f32 v12, v9;
	v14 =	vimm.f32 $0.0e+00;
	v12 =	vimm.f32 $0.0e+00;
	v11 =	vld.idx.msk [tilespmem:v11+s7+$0x0], $0xffff  }
.LBB2_7:
0xe0: {  	p1 =	sne.s32 s13, $0x63;
	v42 =	vadd.s32 s14, v0;
	v41 =	vld.idx.msk [tilespmem:v41+s7+$0x0], $0xffff;
	v9 =	vadd.f32 v19, v9;
	v18 =	vadd.f32 v20, v18  }
0xe1: {  	v15 =	vadd.f32 v21, v15;
	v16 =	vadd.f32 v22, v16;
	v19 =	vld.idx.msk [tilespmem:v39+s7+$0x0], $0xffff  }
0xe2: {  	v13 =	vadd.f32 v23, v13;
	v17 =	vadd.f32 v26, v17;
	v20 =	vld.idx.msk [tilespmem:v40+s7+$0x0], $0xffff  }
0xe3: {  	v14 =	vadd.f32 v27, v14;
	v21 =	vld.idx.msk [tilespmem:v38+s7+$0x0], $0xffff  }
0xe4: {  	v12 =	vadd.f32 v28, v12;
	v22 =	vld.idx.msk [tilespmem:v37+s7+$0x0], $0xffff  }
0xe5: {  	v2 =	vadd.f32 v11, v2;
	v42 =	vld.idx.msk [tilespmem:v42+s2+$0x0], $0xffff  }
0xe6: {  	v7 =	vadd.f32 v41, v7;
	v43 =	vld.idx.msk [tilespmem:v36+s7+$0x0], $0xffff  }
0xe7: {  	v6 =	vadd.f32 v19, v6;
	v44 =	vld.idx.msk [tilespmem:v35+s7+$0x0], $0xffff  }
0xe8: {  	v5 =	vadd.f32 v20, v5;
	v19 =	vld.idx.msk [tilespmem:v33+s7+$0x0], $0xffff  }
0xe9: {  	v4 =	vadd.f32 v21, v4;
	v20 =	vld.idx.msk [tilespmem:v34+s7+$0x0], $0xffff  }
0xea: {  	v3 =	vadd.f32 v22, v3;
	v21 =	vld.idx.msk [tilespmem:v32+s7+$0x0], $0xffff  }
0xeb: {  	v41 =	vadd.s32 $0x20, v42;
	v39 =	vadd.s32 $0x21, v42;
	v11 =	vadd.s32 $0x2F, v42;
	v22 =	vld.idx.msk [tilespmem:v31+s7+$0x0], $0xffff  }
.Ltmp2:
0xec: {  	v40 =	vadd.s32 $0x22, v42;
	v38 =	vadd.s32 $0x23, v42;
	v37 =	vadd.s32 $0x24, v42;
	v23 =	vld.idx.msk [tilespmem:v30+s7+$0x0], $0xffff;
	(pc) =	sbr.rel @p1 .LBB2_7-.Ltmp2, $4  }
0xed: {  	v36 =	vadd.s32 $0x25, v42;
	v35 =	vadd.s32 $0x26, v42;
	v33 =	vadd.s32 $0x27, v42;
	v26 =	vld.idx.msk [tilespmem:v29+s7+$0x0], $0xffff  }
0xee: {  	v34 =	vadd.s32 $0x28, v42;
	v32 =	vadd.s32 $0x29, v42;
	v31 =	vadd.s32 $0x2A, v42;
	v27 =	vld.idx.msk [tilespmem:v25+s7+$0x0], $0xffff  }
0xef: {  	v30 =	vadd.s32 $0x2B, v42;
	v29 =	vadd.s32 $0x2C, v42;
	v25 =	vadd.s32 $0x2D, v42;
	v28 =	vld.idx.msk [tilespmem:v24+s7+$0x0], $0xffff  }
0xf0: {  	s14 =	sadd.s32 s13, s11;
	s13 =	sadd.s32 $0x1, s13;
	v10 =	vadd.f32 v43, v10;
	v8 =	vadd.f32 v44, v8;
	v24 =	vadd.s32 $0x2E, v42;
	v11 =	vld.idx.msk [tilespmem:v11+s7+$0x0], $0xffff  }
0xf1: {  	_ =	sdelay $0x3  }
0xf2: {  	v41 =	vld.idx.msk [tilespmem:v41+s7+$0x0], $0xffff  }
0xf3: {  	v42 =	vadd.s32 s14, v0;
	v39 =	vld.idx.msk [tilespmem:v39+s7+$0x0], $0xffff  }
0xf4: {  	v40 =	vld.idx.msk [tilespmem:v40+s7+$0x0], $0xffff  }
0xf5: {  	v38 =	vld.idx.msk [tilespmem:v38+s7+$0x0], $0xffff  }
0xf6: {  	v37 =	vld.idx.msk [tilespmem:v37+s7+$0x0], $0xffff  }
0xf7: {  	v36 =	vld.idx.msk [tilespmem:v36+s7+$0x0], $0xffff  }
0xf8: {  	v42 =	vld.idx.msk [tilespmem:v42+s2+$0x0], $0xffff  }
0xf9: {  	v35 =	vld.idx.msk [tilespmem:v35+s7+$0x0], $0xffff  }
0xfa: {  	v33 =	vld.idx.msk [tilespmem:v33+s7+$0x0], $0xffff  }
0xfb: {  	v34 =	vld.idx.msk [tilespmem:v34+s7+$0x0], $0xffff  }
0xfc: {  	v32 =	vld.idx.msk [tilespmem:v32+s7+$0x0], $0xffff  }
0xfd: {  	v31 =	vld.idx.msk [tilespmem:v31+s7+$0x0], $0xffff;
	v43 =	vadd.s32 $0x2F, v42  }
0xfe: {  	v30 =	vld.idx.msk [tilespmem:v30+s7+$0x0], $0xffff;
	v44 =	vadd.s32 $0x20, v42  }
0xff: {  	v29 =	vld.idx.msk [tilespmem:v29+s7+$0x0], $0xffff;
	v45 =	vadd.s32 $0x21, v42  }
0x100: {  	v25 =	vld.idx.msk [tilespmem:v25+s7+$0x0], $0xffff;
	v46 =	vadd.s32 $0x22, v42  }
0x101: {  	v24 =	vld.idx.msk [tilespmem:v24+s7+$0x0], $0xffff;
	v47 =	vadd.s32 $0x23, v42  }
0x102: {  	v48 =	vadd.s32 $0x24, v42;
	v43 =	vld.idx.msk [tilespmem:v43+s7+$0x0], $0xffff  }
0x103: {  	v49 =	vadd.s32 $0x25, v42;
	v44 =	vld.idx.msk [tilespmem:v44+s7+$0x0], $0xffff  }
0x104: {  	v50 =	vadd.s32 $0x26, v42;
	v45 =	vld.idx.msk [tilespmem:v45+s7+$0x0], $0xffff  }
0x105: {  	v51 =	vadd.s32 $0x27, v42;
	v46 =	vld.idx.msk [tilespmem:v46+s7+$0x0], $0xffff  }
0x106: {  	v52 =	vadd.s32 $0x28, v42;
	v47 =	vld.idx.msk [tilespmem:v47+s7+$0x0], $0xffff  }
0x107: {  	v53 =	vadd.s32 $0x29, v42;
	v48 =	vld.idx.msk [tilespmem:v48+s7+$0x0], $0xffff  }
0x108: {  	v54 =	vadd.s32 $0x2A, v42;
	v49 =	vld.idx.msk [tilespmem:v49+s7+$0x0], $0xffff  }
0x109: {  	v9 =	vadd.f32 v19, v9;
	v18 =	vadd.f32 v20, v18;
	v55 =	vadd.s32 $0x2B, v42;
	v50 =	vld.idx.msk [tilespmem:v50+s7+$0x0], $0xffff  }
0x10a: {  	v15 =	vadd.f32 v21, v15;
	v16 =	vadd.f32 v22, v16;
	v56 =	vadd.s32 $0x2C, v42;
	v51 =	vld.idx.msk [tilespmem:v51+s7+$0x0], $0xffff  }
0x10b: {  	s13 =	sor.u32 $0x20, s12;
	v13 =	vadd.f32 v23, v13;
	v17 =	vadd.f32 v26, v17;
	v19 =	vadd.s32 $0x2D, v42;
	v20 =	vld.idx.msk [tilespmem:v52+s7+$0x0], $0xffff  }
0x10c: {  	s14 =	sor.u32 $0x21, s12;
	v26 =	vor.u32 s13, v1;
	v14 =	vadd.f32 v27, v14;
	v21 =	vadd.s32 $0x2E, v42;
	v22 =	vld.idx.msk [tilespmem:v53+s7+$0x0], $0xffff  }
0x10d: {  	s15 =	sor.u32 $0x22, s12;
	v59 =	vor.u32 s14, v1;
	v12 =	vadd.f32 v28, v12;
	v7 =	vadd.f32 v41, v7;
	v23 =	vld.idx.msk [tilespmem:v54+s7+$0x0], $0xffff  }
0x10e: {  	s16 =	sor.u32 $0x23, s12;
	v60 =	vor.u32 s15, v1;
	v6 =	vadd.f32 v39, v6;
	v5 =	vadd.f32 v40, v5;
	v27 =	vld.idx.msk [tilespmem:v55+s7+$0x0], $0xffff  }
0x10f: {  	s17 =	sor.u32 $0x24, s12;
	v61 =	vor.u32 s16, v1;
	v4 =	vadd.f32 v38, v4;
	v28 =	vld.idx.msk [tilespmem:v56+s7+$0x0], $0xffff;
	v7 =	vadd.f32 v44, v7  }
0x110: {  	s18 =	sor.u32 $0x25, s12;
	v62 =	vor.u32 s17, v1;
	v3 =	vadd.f32 v37, v3;
	v19 =	vld.idx.msk [tilespmem:v19+s7+$0x0], $0xffff;
	v6 =	vadd.f32 v45, v6  }
0x111: {  	s19 =	sor.u32 $0x26, s12;
	v21 =	vld.idx.msk [tilespmem:v21+s7+$0x0], $0xffff;
	v5 =	vadd.f32 v46, v5;
	[tilespmem:v26+s9+$0x0] =	vst.idx.msk $0xffff, v7;
	v7 =	vor.u32 s18, v1  }
0x112: {  	s20 =	sor.u32 $0x27, s12;
	v10 =	vadd.f32 v36, v10;
	v4 =	vadd.f32 v47, v4;
	[tilespmem:v59+s9+$0x0] =	vst.idx.msk $0xffff, v6;
	v6 =	vor.u32 s19, v1  }
0x113: {  	s21 =	sor.u32 $0x28, s12;
	v8 =	vadd.f32 v35, v8;
	v3 =	vadd.f32 v48, v3;
	[tilespmem:v60+s9+$0x0] =	vst.idx.msk $0xffff, v5;
	v5 =	vor.u32 s20, v1  }
0x114: {  	s22 =	sor.u32 $0x29, s12;
	v9 =	vadd.f32 v33, v9;
	v10 =	vadd.f32 v49, v10;
	[tilespmem:v61+s9+$0x0] =	vst.idx.msk $0xffff, v4;
	v4 =	vor.u32 s21, v1  }
0x115: {  	s23 =	sor.u32 $0x2A, s12;
	v18 =	vadd.f32 v34, v18;
	v8 =	vadd.f32 v50, v8;
	[tilespmem:v62+s9+$0x0] =	vst.idx.msk $0xffff, v3;
	v3 =	vor.u32 s22, v1  }
0x116: {  	s24 =	sor.u32 $0x2B, s12;
	v15 =	vadd.f32 v32, v15;
	v9 =	vadd.f32 v51, v9;
	[tilespmem:v7+s9+$0x0] =	vst.idx.msk $0xffff, v10;
	v7 =	vor.u32 s23, v1  }
0x117: {  	s25 =	sor.u32 $0x2C, s12;
	v10 =	vadd.f32 v31, v16;
	v16 =	vadd.f32 v20, v18;
	[tilespmem:v6+s9+$0x0] =	vst.idx.msk $0xffff, v8;
	v6 =	vor.u32 s24, v1  }
0x118: {  	s26 =	sor.u32 $0x2D, s12;
	v8 =	vadd.f32 v30, v13;
	v13 =	vadd.f32 v22, v15;
	[tilespmem:v5+s9+$0x0] =	vst.idx.msk $0xffff, v9;
	v5 =	vor.u32 s25, v1  }
0x119: {  	s28 =	sor.u32 $0x2E, s12;
	v9 =	vadd.f32 v29, v17;
	v10 =	vadd.f32 v23, v10;
	[tilespmem:v4+s9+$0x0] =	vst.idx.msk $0xffff, v16;
	v4 =	vor.u32 s26, v1  }
0x11a: {  	s29 =	sor.u32 $0x2F, s12;
	v14 =	vadd.f32 v25, v14;
	v8 =	vadd.f32 v27, v8;
	[tilespmem:v3+s9+$0x0] =	vst.idx.msk $0xffff, v13;
	v3 =	vor.u32 s28, v1  }
0x11b: {  	s30 =	sadd.s32 $0x0, s11;
	v12 =	vadd.f32 v24, v12;
	v9 =	vadd.f32 v28, v9;
	[tilespmem:v7+s9+$0x0] =	vst.idx.msk $0xffff, v10;
	v7 =	vor.u32 s29, v1  }
0x11c: {  	v2 =	vadd.f32 v11, v2;
	v10 =	vadd.f32 v19, v14;
	[tilespmem:v6+s9+$0x0] =	vst.idx.msk $0xffff, v8;
	v6 =	vadd.s32 s30, v0  }
0x11d: {  	v8 =	vadd.f32 v21, v12;
	[tilespmem:v5+s9+$0x0] =	vst.idx.msk $0xffff, v9  }
0x11e: {  	v2 =	vadd.f32 v43, v2;
	[tilespmem:v4+s9+$0x0] =	vst.idx.msk $0xffff, v10  }
0x11f: {  	[tilespmem:v3+s9+$0x0] =	vst.idx.msk $0xffff, v8  }
0x120: {  	[tilespmem:v7+s9+$0x0] =	vst.idx.msk $0xffff, v2  }
0x121: {  	v3 =	vld.idx.msk [tilespmem:v6+s2+$0x0], $0xffff;
	_ =	sdelay $0x2  }
0x122: {  	s31 =	sadd.s32 $0x1, s11  }
0x123: {  	v9 =	vadd.s32 s31, v0  }
0x124: {  	v2 =	vadd.s32 $0x3F, v3  }
0x125: {  	v4 =	vadd.s32 $0x30, v3  }
0x126: {  	v5 =	vadd.s32 $0x31, v3  }
0x127: {  	v6 =	vadd.s32 $0x32, v3  }
0x128: {  	v14 =	vld.idx.msk [tilespmem:v9+s2+$0x0], $0xffff;
	v7 =	vadd.s32 $0x33, v3  }
0x129: {  	v8 =	vadd.s32 $0x34, v3;
	v2 =	vld.idx.msk [tilespmem:v2+s7+$0x0], $0xffff  }
0x12a: {  	v12 =	vadd.s32 $0x36, v3;
	v4 =	vld.idx.msk [tilespmem:v4+s7+$0x0], $0xffff  }
0x12b: {  	v13 =	vadd.s32 $0x37, v3;
	v5 =	vld.idx.msk [tilespmem:v5+s7+$0x0], $0xffff  }
0x12c: {  	v15 =	vadd.s32 $0x38, v3;
	v10 =	vld.idx.msk [tilespmem:v6+s7+$0x0], $0xffff  }
0x12d: {  	v9 =	vimm.f32 $0.0e+00;
	v16 =	vadd.s32 $0x39, v3;
	v17 =	vadd.s32 $0x3A, v3;
	v11 =	vld.idx.msk [tilespmem:v7+s7+$0x0], $0xffff  }
0x12e: {  	v18 =	vadd.s32 $0x3B, v3;
	v24 =	vadd.s32 $0x3C, v3;
	v6 =	vadd.s32 $0x35, v3;
	v8 =	vld.idx.msk [tilespmem:v8+s7+$0x0], $0xffff  }
0x12f: {  	v27 =	vadd.s32 $0x3D, v3;
	v63 =	vadd.s32 $0x3E, v3;
	v41 =	vadd.s32 $0x30, v14;
	v12 =	vld.idx.msk [tilespmem:v12+s7+$0x0], $0xffff  }
0x130: {  	v39 =	vadd.s32 $0x31, v14;
	v40 =	vadd.s32 $0x32, v14;
	v38 =	vadd.s32 $0x33, v14;
	v19 =	vld.idx.msk [tilespmem:v13+s7+$0x0], $0xffff  }
0x131: {  	v37 =	vadd.s32 $0x34, v14;
	v36 =	vadd.s32 $0x35, v14;
	v35 =	vadd.s32 $0x36, v14;
	v20 =	vld.idx.msk [tilespmem:v15+s7+$0x0], $0xffff  }
0x132: {  	v33 =	vadd.s32 $0x37, v14;
	v34 =	vadd.s32 $0x38, v14;
	v32 =	vadd.s32 $0x39, v14;
	v21 =	vld.idx.msk [tilespmem:v16+s7+$0x0], $0xffff  }
0x133: {  	v31 =	vadd.s32 $0x3A, v14;
	v30 =	vadd.s32 $0x3B, v14;
	v29 =	vadd.s32 $0x3C, v14;
	v28 =	vld.idx.msk [tilespmem:v6+s7+$0x0], $0xffff  }
0x134: {  	v23 =	vld.idx.msk [tilespmem:v18+s7+$0x0], $0xffff;
	v7 =	vadd.f32 v4, v9;
	v4 =	vadd.f32 v11, v9;
	v11 =	vadd.s32 $0x3F, v14  }
0x135: {  	v25 =	vadd.s32 $0x3D, v14;
	v26 =	vld.idx.msk [tilespmem:v24+s7+$0x0], $0xffff;
	v24 =	vadd.s32 $0x3E, v14;
	v18 =	vimm.f32 $0.0e+00  }
0x136: {  	v22 =	vld.idx.msk [tilespmem:v17+s7+$0x0], $0xffff;
	v15 =	vimm.f32 $0.0e+00;
	v16 =	vimm.f32 $0.0e+00;
	v2 =	vadd.f32 v2, v9  }
0x137: {  	v27 =	vld.idx.msk [tilespmem:v27+s7+$0x0], $0xffff;
	v13 =	vimm.f32 $0.0e+00;
	v6 =	vadd.f32 v5, v9;
	v5 =	vadd.f32 v10, v9  }
0x138: {  	v17 =	vimm.f32 $0.0e+00;
	v3 =	vadd.f32 v8, v9;
	v10 =	vadd.f32 v28, v9;
	v28 =	vld.idx.msk [tilespmem:v63+s7+$0x0], $0xffff  }
0x139: {  	s14 =	sadd.s32 $0x2, s11;
	s13 =	simm.s32 $0x3;
	v8 =	vadd.f32 v12, v9;
	v14 =	vimm.f32 $0.0e+00;
	v12 =	vimm.f32 $0.0e+00;
	v11 =	vld.idx.msk [tilespmem:v11+s7+$0x0], $0xffff  }
.LBB2_9:
0x13a: {  	p1 =	sne.s32 s13, $0x63;
	v42 =	vadd.s32 s14, v0;
	v41 =	vld.idx.msk [tilespmem:v41+s7+$0x0], $0xffff;
	v9 =	vadd.f32 v19, v9;
	v18 =	vadd.f32 v20, v18  }
0x13b: {  	v15 =	vadd.f32 v21, v15;
	v16 =	vadd.f32 v22, v16;
	v19 =	vld.idx.msk [tilespmem:v39+s7+$0x0], $0xffff  }
0x13c: {  	v13 =	vadd.f32 v23, v13;
	v17 =	vadd.f32 v26, v17;
	v20 =	vld.idx.msk [tilespmem:v40+s7+$0x0], $0xffff  }
0x13d: {  	v14 =	vadd.f32 v27, v14;
	v21 =	vld.idx.msk [tilespmem:v38+s7+$0x0], $0xffff  }
0x13e: {  	v12 =	vadd.f32 v28, v12;
	v22 =	vld.idx.msk [tilespmem:v37+s7+$0x0], $0xffff  }
0x13f: {  	v2 =	vadd.f32 v11, v2;
	v42 =	vld.idx.msk [tilespmem:v42+s2+$0x0], $0xffff  }
0x140: {  	v7 =	vadd.f32 v41, v7;
	v43 =	vld.idx.msk [tilespmem:v36+s7+$0x0], $0xffff  }
0x141: {  	v6 =	vadd.f32 v19, v6;
	v44 =	vld.idx.msk [tilespmem:v35+s7+$0x0], $0xffff  }
0x142: {  	v5 =	vadd.f32 v20, v5;
	v19 =	vld.idx.msk [tilespmem:v33+s7+$0x0], $0xffff  }
0x143: {  	v4 =	vadd.f32 v21, v4;
	v20 =	vld.idx.msk [tilespmem:v34+s7+$0x0], $0xffff  }
0x144: {  	v3 =	vadd.f32 v22, v3;
	v21 =	vld.idx.msk [tilespmem:v32+s7+$0x0], $0xffff  }
0x145: {  	v41 =	vadd.s32 $0x30, v42;
	v39 =	vadd.s32 $0x31, v42;
	v11 =	vadd.s32 $0x3F, v42;
	v22 =	vld.idx.msk [tilespmem:v31+s7+$0x0], $0xffff  }
.Ltmp3:
0x146: {  	v40 =	vadd.s32 $0x32, v42;
	v38 =	vadd.s32 $0x33, v42;
	v37 =	vadd.s32 $0x34, v42;
	v23 =	vld.idx.msk [tilespmem:v30+s7+$0x0], $0xffff;
	(pc) =	sbr.rel @p1 .LBB2_9-.Ltmp3, $4  }
0x147: {  	v36 =	vadd.s32 $0x35, v42;
	v35 =	vadd.s32 $0x36, v42;
	v33 =	vadd.s32 $0x37, v42;
	v26 =	vld.idx.msk [tilespmem:v29+s7+$0x0], $0xffff  }
0x148: {  	v34 =	vadd.s32 $0x38, v42;
	v32 =	vadd.s32 $0x39, v42;
	v31 =	vadd.s32 $0x3A, v42;
	v27 =	vld.idx.msk [tilespmem:v25+s7+$0x0], $0xffff  }
0x149: {  	v30 =	vadd.s32 $0x3B, v42;
	v29 =	vadd.s32 $0x3C, v42;
	v25 =	vadd.s32 $0x3D, v42;
	v28 =	vld.idx.msk [tilespmem:v24+s7+$0x0], $0xffff  }
0x14a: {  	s14 =	sadd.s32 s13, s11;
	s13 =	sadd.s32 $0x1, s13;
	v10 =	vadd.f32 v43, v10;
	v8 =	vadd.f32 v44, v8;
	v24 =	vadd.s32 $0x3E, v42;
	v11 =	vld.idx.msk [tilespmem:v11+s7+$0x0], $0xffff  }
0x14b: {  	_ =	sdelay $0x3  }
0x14c: {  	v41 =	vld.idx.msk [tilespmem:v41+s7+$0x0], $0xffff  }
0x14d: {  	v42 =	vadd.s32 s14, v0;
	v39 =	vld.idx.msk [tilespmem:v39+s7+$0x0], $0xffff  }
0x14e: {  	v40 =	vld.idx.msk [tilespmem:v40+s7+$0x0], $0xffff  }
0x14f: {  	v38 =	vld.idx.msk [tilespmem:v38+s7+$0x0], $0xffff  }
0x150: {  	v37 =	vld.idx.msk [tilespmem:v37+s7+$0x0], $0xffff  }
0x151: {  	v36 =	vld.idx.msk [tilespmem:v36+s7+$0x0], $0xffff  }
0x152: {  	v42 =	vld.idx.msk [tilespmem:v42+s2+$0x0], $0xffff  }
0x153: {  	v35 =	vld.idx.msk [tilespmem:v35+s7+$0x0], $0xffff  }
0x154: {  	v33 =	vld.idx.msk [tilespmem:v33+s7+$0x0], $0xffff  }
0x155: {  	v34 =	vld.idx.msk [tilespmem:v34+s7+$0x0], $0xffff  }
0x156: {  	v32 =	vld.idx.msk [tilespmem:v32+s7+$0x0], $0xffff  }
0x157: {  	v31 =	vld.idx.msk [tilespmem:v31+s7+$0x0], $0xffff;
	v43 =	vadd.s32 $0x3F, v42  }
0x158: {  	v30 =	vld.idx.msk [tilespmem:v30+s7+$0x0], $0xffff;
	v44 =	vadd.s32 $0x30, v42  }
0x159: {  	v29 =	vld.idx.msk [tilespmem:v29+s7+$0x0], $0xffff;
	v45 =	vadd.s32 $0x31, v42  }
0x15a: {  	v25 =	vld.idx.msk [tilespmem:v25+s7+$0x0], $0xffff;
	v46 =	vadd.s32 $0x32, v42  }
0x15b: {  	v24 =	vld.idx.msk [tilespmem:v24+s7+$0x0], $0xffff;
	v47 =	vadd.s32 $0x33, v42  }
0x15c: {  	v48 =	vadd.s32 $0x34, v42;
	v43 =	vld.idx.msk [tilespmem:v43+s7+$0x0], $0xffff  }
0x15d: {  	v49 =	vadd.s32 $0x35, v42;
	v44 =	vld.idx.msk [tilespmem:v44+s7+$0x0], $0xffff  }
0x15e: {  	v50 =	vadd.s32 $0x36, v42;
	v45 =	vld.idx.msk [tilespmem:v45+s7+$0x0], $0xffff  }
0x15f: {  	v51 =	vadd.s32 $0x37, v42;
	v46 =	vld.idx.msk [tilespmem:v46+s7+$0x0], $0xffff  }
0x160: {  	v52 =	vadd.s32 $0x38, v42;
	v47 =	vld.idx.msk [tilespmem:v47+s7+$0x0], $0xffff  }
0x161: {  	v53 =	vadd.s32 $0x39, v42;
	v48 =	vld.idx.msk [tilespmem:v48+s7+$0x0], $0xffff  }
0x162: {  	v54 =	vadd.s32 $0x3A, v42;
	v49 =	vld.idx.msk [tilespmem:v49+s7+$0x0], $0xffff  }
0x163: {  	v9 =	vadd.f32 v19, v9;
	v18 =	vadd.f32 v20, v18;
	v55 =	vadd.s32 $0x3B, v42;
	v50 =	vld.idx.msk [tilespmem:v50+s7+$0x0], $0xffff  }
0x164: {  	v15 =	vadd.f32 v21, v15;
	v16 =	vadd.f32 v22, v16;
	v56 =	vadd.s32 $0x3C, v42;
	v51 =	vld.idx.msk [tilespmem:v51+s7+$0x0], $0xffff  }
0x165: {  	s11 =	sor.u32 $0x30, s12;
	v13 =	vadd.f32 v23, v13;
	v17 =	vadd.f32 v26, v17;
	v19 =	vadd.s32 $0x3D, v42;
	v57 =	vld.idx.msk [tilespmem:v52+s7+$0x0], $0xffff  }
0x166: {  	s16 =	sor.u32 $0x31, s12;
	v60 =	vor.u32 s11, v1;
	v14 =	vadd.f32 v27, v14;
	v58 =	vadd.s32 $0x3E, v42;
	v59 =	vld.idx.msk [tilespmem:v53+s7+$0x0], $0xffff  }
0x167: {  	s17 =	sor.u32 $0x32, s12;
	v61 =	vor.u32 s16, v1;
	v12 =	vadd.f32 v28, v12;
	v7 =	vadd.f32 v41, v7;
	v23 =	vld.idx.msk [tilespmem:v54+s7+$0x0], $0xffff  }
0x168: {  	s18 =	sor.u32 $0x33, s12;
	v63 =	vor.u32 s17, v1;
	v6 =	vadd.f32 v39, v6;
	v5 =	vadd.f32 v40, v5;
	v27 =	vld.idx.msk [tilespmem:v55+s7+$0x0], $0xffff  }
0x169: {  	s19 =	sor.u32 $0x34, s12;
	v4 =	vadd.f32 v38, v4;
	v62 =	vld.idx.msk [tilespmem:v56+s7+$0x0], $0xffff;
	v7 =	vadd.f32 v44, v7;
	v44 =	vor.u32 s18, v1  }
0x16a: {  	s20 =	sor.u32 $0x35, s12;
	v3 =	vadd.f32 v37, v3;
	v19 =	vld.idx.msk [tilespmem:v19+s7+$0x0], $0xffff;
	v6 =	vadd.f32 v45, v6;
	v45 =	vor.u32 s19, v1  }
0x16b: {  	s21 =	sor.u32 $0x36, s12;
	v21 =	vld.idx.msk [tilespmem:v58+s7+$0x0], $0xffff;
	v5 =	vadd.f32 v46, v5;
	v46 =	vor.u32 s20, v1;
	[tilespmem:v60+s9+$0x0] =	vst.idx.msk $0xffff, v7  }
0x16c: {  	s22 =	sor.u32 $0x37, s12;
	v10 =	vadd.f32 v36, v10;
	v4 =	vadd.f32 v47, v4;
	v47 =	vor.u32 s21, v1;
	[tilespmem:v61+s9+$0x0] =	vst.idx.msk $0xffff, v6  }
0x16d: {  	s23 =	sor.u32 $0x38, s12;
	v8 =	vadd.f32 v35, v8;
	v3 =	vadd.f32 v48, v3;
	v48 =	vor.u32 s22, v1;
	[tilespmem:v63+s9+$0x0] =	vst.idx.msk $0xffff, v5  }
0x16e: {  	s24 =	sor.u32 $0x39, s12;
	v9 =	vadd.f32 v33, v9;
	v10 =	vadd.f32 v49, v10;
	v49 =	vor.u32 s23, v1;
	[tilespmem:v44+s9+$0x0] =	vst.idx.msk $0xffff, v4  }
0x16f: {  	s25 =	sor.u32 $0x3A, s12;
	v18 =	vadd.f32 v34, v18;
	v8 =	vadd.f32 v50, v8;
	[tilespmem:v45+s9+$0x0] =	vst.idx.msk $0xffff, v3;
	v3 =	vor.u32 s24, v1  }
0x170: {  	s26 =	sor.u32 $0x3B, s12;
	v15 =	vadd.f32 v32, v15;
	v52 =	vor.u32 s25, v1;
	v9 =	vadd.f32 v51, v9;
	[tilespmem:v46+s9+$0x0] =	vst.idx.msk $0xffff, v10  }
0x171: {  	s28 =	sor.u32 $0x3C, s12;
	v53 =	vadd.f32 v31, v16;
	v55 =	vor.u32 s26, v1;
	v54 =	vadd.f32 v57, v18;
	[tilespmem:v47+s9+$0x0] =	vst.idx.msk $0xffff, v8  }
0x172: {  	s29 =	sor.u32 $0x3D, s12;
	v56 =	vadd.f32 v30, v13;
	v58 =	vor.u32 s28, v1;
	v57 =	vadd.f32 v59, v15;
	[tilespmem:v48+s9+$0x0] =	vst.idx.msk $0xffff, v9  }
0x173: {  	s30 =	sor.u32 $0x3E, s12;
	v59 =	vadd.f32 v29, v17;
	v60 =	vor.u32 s29, v1;
	v10 =	vadd.f32 v23, v53;
	[tilespmem:v49+s9+$0x0] =	vst.idx.msk $0xffff, v54  }
0x174: {  	s31 =	sor.u32 $0x3F, s12;
	v14 =	vadd.f32 v25, v14;
	v8 =	vadd.f32 v27, v56;
	[tilespmem:v3+s9+$0x0] =	vst.idx.msk $0xffff, v57;
	v3 =	vor.u32 s30, v1  }
0x175: {  	v12 =	vadd.f32 v24, v12;
	v61 =	vor.u32 s31, v1;
	v9 =	vadd.f32 v62, v59;
	[tilespmem:v52+s9+$0x0] =	vst.idx.msk $0xffff, v10  }
.Ltmp4:
0x176: {  	v2 =	vadd.f32 v11, v2;
	v62 =	vadd.f32 v19, v14;
	[tilespmem:v55+s9+$0x0] =	vst.idx.msk $0xffff, v8;
	(pc) =	sbr.rel @p0 .LBB2_2-.Ltmp4, $4  }
0x177: {  	v63 =	vadd.f32 v21, v12;
	[tilespmem:v58+s9+$0x0] =	vst.idx.msk $0xffff, v9  }
0x178: {  	v2 =	vadd.f32 v43, v2;
	[tilespmem:v60+s9+$0x0] =	vst.idx.msk $0xffff, v62  }
0x179: {  	[tilespmem:v3+s9+$0x0] =	vst.idx.msk $0xffff, v63  }
0x17a: {  	s12 =	simm.s32 $0x1;
	p1 =	por $0x0, $0x0;
	[tilespmem:v61+s9+$0x0] =	vst.idx.msk $0xffff, v2  }
0x17b: {  	s10 =	sadd.s32 $0x1, s10  }
0x17c: {  	p0 =	sne.s32 s10, s6  }
.Ltmp5:
0x17d: {  	_ = 	snop;
	(pc) =	sbr.rel @p0 .LBB2_1-.Ltmp5, $4  }
0x17e: {  	[hbm4b:s5+s2] =	stream.linear.scatter [tilespmem:s9], [sflag:$0x1], $0x800, $0x38;
	[tilespmem:$0x11480] =	vst v63  }
0x17f: {  	_ =	swait.ge [sflag:s8], $0x800  }
0x180: {  	[sflag:s8] =	ssyncset.done $0x0  }
0x181: {  	[sflag:s8] =	ssyncadd.s32 $0xFFFFF800  }
0x182: {  	_ =	sfence.sel $0x180000  }
0x183: {  	[bflag:$0x0] =	sbarrier.arrive $0xFFFF  }
0x184: {  	p0 =	sne.s32 s0, $0x0;
	_ =	strace $0x90000047  }
0x185: {  	s0 =	sadd.s32 @!p0 $0x100000, s1;
	[bflag:$0x2] =	sbarrier.arrive $0xFFFF  }
0x186: {  	[sflag:s0] =	ssyncadd.tile.s32 @!p0 $0x1;
	_ =	shalt  }
.Lfunc_end2:
_tile_overlayer_lowered:
.L_overlay_start_2:
0x187: {  	(tag) =	ssettag $0x2  }
0x188: {  	s0 =	rddreg [dreg:$0x0];
	s2 =	stileid.u32  }
0x189: {  	s1 =	rddreg [dreg:$0x1];
	p0 =	sne.s32 s2, $0x0  }
0x18a: {  	s3 =	rddreg [dreg:$0x2];
	[bflag:$0x3] =	sbarrier.arrive $0xFFFF;
	s2 =	simm.s32 @!p0 $0x1C01  }
0x18b: {  	[timem:s3], [sflag:s2] =	dma.local @!p0 [hbm:s0], s1  }
0x18c: {  	s0 =	simm.s32 @!p0 $0x1  }
0x18d: {  	_ =	swait.ge @!p0 [sflag:s0], s1  }
0x18e: {  	s1 =	ssub.s32 @!p0 $0x0, s1;
	[sflag:s0] =	ssyncset.done @!p0 $0x0  }
0x18f: {  	[sflag:s0] =	ssyncadd.s32 @!p0 s1  }
0x190: {  	[bflag:$0x3] =	sbarrier.arrive $0xFFFF  }
0x191: {  	_ =	shalt  }

</sc_bundles>
